<compile_context>
chip_gen: v7x
topology: tpu7x:2x2x1
jax: 0.10.2.dev20260603
libtpu: 0.0.44.dev20260713+nightly
codegen_flags: <defaults>
</compile_context>

<pallas_src>
import functools

import jax
import jax.numpy as jnp
from jax.experimental import pallas as pl
from jax.experimental.pallas import tpu as pltpu

_PREC = jax.lax.Precision.DEFAULT


def _split(x):
    hi = x.astype(jnp.bfloat16)
    lo = (x - hi.astype(jnp.float32)).astype(jnp.bfloat16)
    return hi, lo


def _dot3(xhi, xlo, whi, wlo):
    d = functools.partial(
        jax.lax.dot_general,
        dimension_numbers=(((1,), (0,)), ((), ())),
        preferred_element_type=jnp.float32, precision=_PREC)
    return d(xhi, whi) + d(xhi, wlo) + d(xlo, whi)

_D0, _H0, _W0 = 41, 80, 80
_CIN = 64
_EPS = 1e-3

_LAYERS = [
    ("subm", 64, 16, (3, 3, 3), (1, 1, 1), (1, 1, 1)),
    ("subm", 16, 16, (3, 3, 3), (1, 1, 1), (1, 1, 1)),
    ("conv", 16, 32, (3, 3, 3), (2, 2, 2), (1, 1, 1)),
    ("subm", 32, 32, (3, 3, 3), (1, 1, 1), (1, 1, 1)),
    ("subm", 32, 32, (3, 3, 3), (1, 1, 1), (1, 1, 1)),
    ("conv", 32, 64, (3, 3, 3), (2, 2, 2), (1, 1, 1)),
    ("subm", 64, 64, (3, 3, 3), (1, 1, 1), (1, 1, 1)),
    ("subm", 64, 64, (3, 3, 3), (1, 1, 1), (1, 1, 1)),
    ("subm", 64, 64, (3, 3, 3), (1, 1, 1), (1, 1, 1)),
    ("conv", 64, 64, (3, 3, 3), (2, 2, 2), (0, 1, 1)),
    ("subm", 64, 64, (3, 3, 3), (1, 1, 1), (1, 1, 1)),
    ("subm", 64, 64, (3, 3, 3), (1, 1, 1), (1, 1, 1)),
    ("subm", 64, 64, (3, 3, 3), (1, 1, 1), (1, 1, 1)),
    ("conv", 64, 64, (3, 1, 1), (2, 1, 1), (0, 0, 0)),
]


def _round8(n):
    return (n + 7) // 8 * 8


def _prep_params(p, ker, cin, cout):
    scale = p["gamma"] * jax.lax.rsqrt(p["rv"] + _EPS)
    shift = p["beta"] - p["rm"] * scale
    w = jnp.transpose(p["w"], (2, 3, 4, 1, 0))
    w = w.reshape(ker[0] * ker[1] * ker[2], cin, cout) * scale[None, None, :]
    return w, shift.reshape(1, cout)


def _subm_body(RCH, PW, Wp, cout, xa0, xb0, xa1, xb1, xa2, xb2,
               wref, wlref, bref, mref, oref):
    xs = ((xa0, xb0), (xa1, xb1), (xa2, xb2))
    ext = PW - RCH
    xcat = jnp.concatenate(
        [jnp.concatenate([a[0], b[0, :ext, :]], axis=0) for a, b in xs],
        axis=1)
    xh, xl = _split(xcat)
    P = _dot3(xh, xl, wref[...], wlref[...])
    acc = jnp.zeros((RCH, cout), jnp.float32)
    for ky in range(3):
        for kx in range(3):
            off = (1 + ky) * Wp + kx - 1
            t = ky * 3 + kx
            acc = acc + P[off:off + RCH, t * cout:(t + 1) * cout]
    m = mref[0]
    y = (acc * m + bref[0]) * m
    oref[0] = jnp.maximum(y, 0.0)


def _subm(x, mask, wmat, shift, cin, cout):
    Dd, Hh, Ww, _ = x.shape
    Hp, Wp = Hh + 2, Ww + 2
    RCH = min(512, _round8(Hp * Wp))
    nch = (Hp * Wp + RCH - 1) // RCH
    R = nch * RCH
    PW = _round8(RCH + 3 * Wp + 2)
    RIN = (nch + 1) * RCH
    xp = jnp.pad(x, ((1, 1), (3, 3), (1, 1), (0, 0)))
    xp = xp.reshape(Dd + 2, (Hh + 6) * Wp, cin)
    xp = jnp.pad(xp, ((0, 0), (0, RIN - (Hh + 6) * Wp), (0, 0)))
    mp = jnp.pad(mask, ((0, 0), (1, 1), (1, 1))).reshape(Dd, Hp * Wp, 1)
    mp = jnp.pad(mp, ((0, 0), (0, R - Hp * Wp), (0, 0)))
    wz = wmat.reshape(3, 9, cin, cout).transpose(0, 2, 1, 3)
    wz = wz.reshape(3 * cin, 9 * cout)
    wh, wl = _split(wz)

    in_specs = []
    for kz in range(3):
        in_specs.append(pl.BlockSpec(
            (1, RCH, cin), lambda d, c, kz=kz: (d + kz, c, 0)))
        in_specs.append(pl.BlockSpec(
            (1, RCH, cin), lambda d, c, kz=kz: (d + kz, c + 1, 0)))
    in_specs += [
        pl.BlockSpec((3 * cin, 9 * cout), lambda d, c: (0, 0)),
        pl.BlockSpec((3 * cin, 9 * cout), lambda d, c: (0, 0)),
        pl.BlockSpec((1, cout), lambda d, c: (0, 0)),
        pl.BlockSpec((1, RCH, 1), lambda d, c: (d, c, 0)),
    ]
    out = pl.pallas_call(
        functools.partial(_subm_body, RCH, PW, Wp, cout),
        grid=(Dd, nch),
        in_specs=in_specs,
        out_specs=pl.BlockSpec((1, RCH, cout), lambda d, c: (d, c, 0)),
        out_shape=jax.ShapeDtypeStruct((Dd, R, cout), jnp.float32),
    )(xp, xp, xp, xp, xp, xp, wh, wl, shift, mp)
    y = out[:, :Hp * Wp, :].reshape(Dd, Hp, Wp, cout)[:, 1:1 + Hh, 1:1 + Ww, :]
    return y


def _sconv_body(xr, occr, wr, wlr, br, yr, mr):
    xh, xl = _split(xr[...])
    acc = _dot3(xh, xl, wr[...], wlr[...])
    osum = jnp.sum(occr[...], axis=1, keepdims=True)
    m = (osum > 0.0).astype(jnp.float32)
    yr[...] = jnp.maximum((acc + br[0]) * m, 0.0)
    mr[...] = m


def _sconv(x, occ, wmat, shift, ker, st, pd, cin, cout):
    Dd, Hh, Ww, _ = x.shape
    kd, kh, kw = ker
    sd, sh, sw = st
    pz, py, px = pd
    Do = (Dd + 2 * pz - kd) // sd + 1
    Ho = (Hh + 2 * py - kh) // sh + 1
    Wo = (Ww + 2 * px - kw) // sw + 1
    S = Do * Ho * Wo
    xp = jnp.pad(x, ((pz, pz), (py, py), (px, px), (0, 0)))
    op = jnp.pad(occ, ((pz, pz), (py, py), (px, px)))
    cols, ocols = [], []
    for a in range(kd):
        for b in range(kh):
            for c in range(kw):
                sl = xp[a:a + sd * (Do - 1) + 1:sd,
                        b:b + sh * (Ho - 1) + 1:sh,
                        c:c + sw * (Wo - 1) + 1:sw, :]
                cols.append(sl.reshape(S, cin))
                osl = op[a:a + sd * (Do - 1) + 1:sd,
                         b:b + sh * (Ho - 1) + 1:sh,
                         c:c + sw * (Wo - 1) + 1:sw]
                ocols.append(osl.reshape(S, 1))
    X = jnp.concatenate(cols, axis=1)
    O = jnp.concatenate(ocols, axis=1)
    ktaps = kd * kh * kw
    K = ktaps * cin
    Sb = min(_round8(S), max(256, (2 ** 21 // (K * 4)) // 8 * 8))
    grid = (S + Sb - 1) // Sb
    wflat = wmat.reshape(K, cout)
    wh, wl = _split(wflat)
    y, m = pl.pallas_call(
        _sconv_body,
        grid=(grid,),
        in_specs=[
            pl.BlockSpec((Sb, K), lambda i: (i, 0)),
            pl.BlockSpec((Sb, ktaps), lambda i: (i, 0)),
            pl.BlockSpec((K, cout), lambda i: (0, 0)),
            pl.BlockSpec((K, cout), lambda i: (0, 0)),
            pl.BlockSpec((1, cout), lambda i: (0, 0)),
        ],
        out_specs=[
            pl.BlockSpec((Sb, cout), lambda i: (i, 0)),
            pl.BlockSpec((Sb, 1), lambda i: (i, 0)),
        ],
        out_shape=[
            jax.ShapeDtypeStruct((S, cout), jnp.float32),
            jax.ShapeDtypeStruct((S, 1), jnp.float32),
        ],
    )(X, O, wh, wl, shift)
    return (y.reshape(Do, Ho, Wo, cout), m.reshape(Do, Ho, Wo))


def kernel(voxel_features, coors, batch_size, params):
    bs_f = jnp.asarray(batch_size, jnp.float32)
    dense = jnp.zeros((1, _D0, _H0, _W0, _CIN), jnp.float32)
    dense = dense.at[coors[:, 0], coors[:, 1], coors[:, 2], coors[:, 3]].set(
        voxel_features)
    occ = jnp.zeros((1, _D0, _H0, _W0), jnp.float32)
    occ = occ.at[coors[:, 0], coors[:, 1], coors[:, 2], coors[:, 3]].set(bs_f)
    x = dense[0]
    mask = occ[0]
    for p, (kind, cin, cout, ker, st, pd) in zip(params, _LAYERS):
        wmat, shift = _prep_params(p, ker, cin, cout)
        if kind == "subm":
            x = _subm(x, mask, wmat, shift, cin, cout)
        else:
            x, mask = _sconv(x, mask, wmat, shift, ker, st, pd, cin, cout)
    y = jnp.transpose(x, (3, 0, 1, 2))
    c, d, h, w = y.shape
    return y.reshape(1, c * d, h, w)

# --- scband reference (transcript-rebuilt; emitter-appended) ---
"""Pipeline reference for scband-sp-middle-fhd-197568495909 (READ-ONLY COPY).

The authoritative reference and input builder live on the scoring server;
editing this copy changes nothing except your own understanding.
"""

import jax, jax.numpy as jnp
import numpy as np

D, H, W = 41, 80, 80
N_VOX = 16000
C_IN = 64
EPS = 1e-3

# (kind, c_in, c_out, kernel, stride, padding) mirroring the spconv SparseSequential
SPECS = [
    ("subm", 64, 16, (3, 3, 3), (1, 1, 1), (1, 1, 1)),
    ("subm", 16, 16, (3, 3, 3), (1, 1, 1), (1, 1, 1)),
    ("conv", 16, 32, (3, 3, 3), (2, 2, 2), (1, 1, 1)),
    ("subm", 32, 32, (3, 3, 3), (1, 1, 1), (1, 1, 1)),
    ("subm", 32, 32, (3, 3, 3), (1, 1, 1), (1, 1, 1)),
    ("conv", 32, 64, (3, 3, 3), (2, 2, 2), (1, 1, 1)),
    ("subm", 64, 64, (3, 3, 3), (1, 1, 1), (1, 1, 1)),
    ("subm", 64, 64, (3, 3, 3), (1, 1, 1), (1, 1, 1)),
    ("subm", 64, 64, (3, 3, 3), (1, 1, 1), (1, 1, 1)),
    ("conv", 64, 64, (3, 3, 3), (2, 2, 2), (0, 1, 1)),
    ("subm", 64, 64, (3, 3, 3), (1, 1, 1), (1, 1, 1)),
    ("subm", 64, 64, (3, 3, 3), (1, 1, 1), (1, 1, 1)),
    ("subm", 64, 64, (3, 3, 3), (1, 1, 1), (1, 1, 1)),
    ("conv", 64, 64, (3, 1, 1), (2, 1, 1), (0, 0, 0)),
]


def setup_inputs(seed: int = 0) -> dict:
    key = jax.random.key(seed)
    ks = jax.random.split(key, 5)
    voxel_features = jax.random.normal(ks[0], (N_VOX, C_IN), dtype=jnp.float32)
    bz = jnp.zeros((N_VOX, 1), dtype=jnp.int32)
    zc = jax.random.randint(ks[1], (N_VOX, 1), 0, D).astype(jnp.int32)
    yc = jax.random.randint(ks[2], (N_VOX, 1), 0, H).astype(jnp.int32)
    xc = jax.random.randint(ks[3], (N_VOX, 1), 0, W).astype(jnp.int32)
    coors = jnp.concatenate([bz, zc, yc, xc], axis=1)
    params = []
    k = ks[4]
    for (kind, cin, cout, ker, st, pd) in SPECS:
        k, k1, k2, k3, k4, k5 = jax.random.split(k, 6)
        fan = cin * ker[0] * ker[1] * ker[2]
        params.append({
            "w": jax.random.normal(k1, (cout, cin) + ker, dtype=jnp.float32) * np.sqrt(2.0 / fan),
            "gamma": 1.0 + 0.1 * jax.random.normal(k2, (cout,), dtype=jnp.float32),
            "beta": 0.1 * jax.random.normal(k3, (cout,), dtype=jnp.float32),
            "rm": 0.1 * jax.random.normal(k4, (cout,), dtype=jnp.float32),
            "rv": jax.random.uniform(k5, (cout,), minval=0.5, maxval=1.5, dtype=jnp.float32),
        })
    return {"voxel_features": voxel_features, "coors": coors, "batch_size": 1, "params": params}


def _conv(x, w, stride, pad):
    return jax.lax.conv_general_dilated(
        x, w, window_strides=stride, padding=[(p, p) for p in pad],
        dimension_numbers=("NCDHW", "OIDHW", "NCDHW"))


def _forward(voxel_features, params, coors, batch_size):
    # SparseConvTensor -> dense grid (inactive sites are exact zeros)
    B = 1  # static batch dimension; setup_inputs always passes batch_size == 1
    bs = jnp.asarray(batch_size, dtype=jnp.int32)
    dense = jnp.zeros((B, D, H, W, C_IN), dtype=jnp.float32)
    dense = dense.at[coors[:, 0], coors[:, 1], coors[:, 2], coors[:, 3]].set(voxel_features)
    x = jnp.transpose(dense, (0, 4, 1, 2, 3))  # NCDHW
    occ = jnp.zeros((B, D, H, W), dtype=jnp.float32)
    occ = occ.at[coors[:, 0], coors[:, 1], coors[:, 2], coors[:, 3]].set(bs.astype(jnp.float32))
    mask = occ[:, None, :, :, :]  # active-site mask [B,1,D,H,W]
    for p, (kind, cin, cout, ker, st, pd) in zip(params, SPECS):
        if kind == "subm":
            # submanifold conv: outputs only at existing active sites
            x = _conv(x, p["w"], st, pd) * mask
        else:
            # regular sparse conv: active set dilates per kernel footprint + stride
            x = _conv(x, p["w"], st, pd)
            ones_k = jnp.ones((1, 1) + ker, dtype=jnp.float32)
            mask = (_conv(mask, ones_k, st, pd) > 0).astype(jnp.float32)
        # BatchNorm1d over active voxel features (eval mode, running stats), masked to active set
        shp = (1, cout, 1, 1, 1)
        x = (p["gamma"].reshape(shp) * (x - p["rm"].reshape(shp)) /
             jnp.sqrt(p["rv"].reshape(shp) + EPS) + p["beta"].reshape(shp)) * mask
        x = jax.nn.relu(x)
    n, c, d, h, w = x.shape
    return x.reshape(n, c * d, h, w)


def reference(voxel_features, coors, batch_size, params):
    return _forward(voxel_features, params, coors, batch_size)

if __name__ == "__main__":
    import jax
    _d = setup_inputs()
    print(jax.jit(kernel)(*tuple(_d.values())))

</pallas_src>

<mosaic_0001>
module attributes {stable_mosaic.version = 14 : i64} {
  func.func @_subm_body(%arg0: i32, %arg1: i32, %arg2: memref<1x512x64xf32, #tpu.memory_space<vmem>>, %arg3: memref<1x512x64xf32, #tpu.memory_space<vmem>>, %arg4: memref<1x512x64xf32, #tpu.memory_space<vmem>>, %arg5: memref<1x512x64xf32, #tpu.memory_space<vmem>>, %arg6: memref<1x512x64xf32, #tpu.memory_space<vmem>>, %arg7: memref<1x512x64xf32, #tpu.memory_space<vmem>>, %arg8: memref<192x144xbf16, #tpu.memory_space<vmem>>, %arg9: memref<192x144xbf16, #tpu.memory_space<vmem>>, %arg10: memref<1x16xf32, #tpu.memory_space<vmem>>, %arg11: memref<1x512x1xf32, #tpu.memory_space<vmem>>, %arg12: memref<1x512x16xf32, #tpu.memory_space<vmem>>) attributes {dimension_semantics = [#tpu.dimension_semantics<arbitrary>, #tpu.dimension_semantics<arbitrary>], iteration_bounds = array<i64: 41, 14>, scalar_prefetch = 0 : i64, scratch_operands = 0 : i64, tpu.core_type = #tpu.core_type<tc>, window_params = [{transform_indices = @transform_0, window_bounds = array<i64: 1, 512, 64>}, {transform_indices = @transform_1, window_bounds = array<i64: 1, 512, 64>}, {transform_indices = @transform_2, window_bounds = array<i64: 1, 512, 64>}, {transform_indices = @transform_3, window_bounds = array<i64: 1, 512, 64>}, {transform_indices = @transform_4, window_bounds = array<i64: 1, 512, 64>}, {transform_indices = @transform_5, window_bounds = array<i64: 1, 512, 64>}, {pipeline_mode = #tpu.pipeline_mode<synchronous>, transform_indices = @transform_6, window_bounds = array<i64: 192, 144>}, {pipeline_mode = #tpu.pipeline_mode<synchronous>, transform_indices = @transform_7, window_bounds = array<i64: 192, 144>}, {pipeline_mode = #tpu.pipeline_mode<synchronous>, transform_indices = @transform_8, window_bounds = array<i64: 1, 16>}, {transform_indices = @transform_9, window_bounds = array<i64: 1, 512, 1>}, {transform_indices = @transform_10, window_bounds = array<i64: 1, 512, 16>}]} {
    %get3A = arith.constant 0 : index
    %get3A_0 = arith.constant 0 : index
    %get3A_1 = arith.constant 0 : index
    %get3A_2 = vector.load %arg2[%get3A, %get3A_0, %get3A_1] : memref<1x512x64xf32, #tpu.memory_space<vmem>>, vector<1x512x64xf32>
    %get3A_3 = vector.shape_cast %get3A_2 : vector<1x512x64xf32> to vector<512x64xf32>
    %get3A_4 = arith.constant 0 : index
    %get3A_5 = arith.constant 0 : index
    %get3A_6 = arith.constant 0 : index
    %get3A_7 = vector.load %arg3[%get3A_4, %get3A_5, %get3A_6] : memref<1x512x64xf32, #tpu.memory_space<vmem>>, vector<1x248x64xf32>
    %get3A_8 = vector.shape_cast %get3A_7 : vector<1x248x64xf32> to vector<248x64xf32>
    %concatenate3A = tpu.concatenate %get3A_3, %get3A_8 in 0 : vector<512x64xf32>, vector<248x64xf32> -> vector<760x64xf32>
    %get3A_9 = arith.constant 0 : index
    %get3A_10 = arith.constant 0 : index
    %get3A_11 = arith.constant 0 : index
    %get3A_12 = vector.load %arg4[%get3A_9, %get3A_10, %get3A_11] : memref<1x512x64xf32, #tpu.memory_space<vmem>>, vector<1x512x64xf32>
    %get3A_13 = vector.shape_cast %get3A_12 : vector<1x512x64xf32> to vector<512x64xf32>
    %get3A_14 = arith.constant 0 : index
    %get3A_15 = arith.constant 0 : index
    %get3A_16 = arith.constant 0 : index
    %get3A_17 = vector.load %arg5[%get3A_14, %get3A_15, %get3A_16] : memref<1x512x64xf32, #tpu.memory_space<vmem>>, vector<1x248x64xf32>
    %get3A_18 = vector.shape_cast %get3A_17 : vector<1x248x64xf32> to vector<248x64xf32>
    %concatenate3A_19 = tpu.concatenate %get3A_13, %get3A_18 in 0 : vector<512x64xf32>, vector<248x64xf32> -> vector<760x64xf32>
    %get3A_20 = arith.constant 0 : index
    %get3A_21 = arith.constant 0 : index
    %get3A_22 = arith.constant 0 : index
    %get3A_23 = vector.load %arg6[%get3A_20, %get3A_21, %get3A_22] : memref<1x512x64xf32, #tpu.memory_space<vmem>>, vector<1x512x64xf32>
    %get3A_24 = vector.shape_cast %get3A_23 : vector<1x512x64xf32> to vector<512x64xf32>
    %get3A_25 = arith.constant 0 : index
    %get3A_26 = arith.constant 0 : index
    %get3A_27 = arith.constant 0 : index
    %get3A_28 = vector.load %arg7[%get3A_25, %get3A_26, %get3A_27] : memref<1x512x64xf32, #tpu.memory_space<vmem>>, vector<1x248x64xf32>
    %get3A_29 = vector.shape_cast %get3A_28 : vector<1x248x64xf32> to vector<248x64xf32>
    %concatenate3A_30 = tpu.concatenate %get3A_24, %get3A_29 in 0 : vector<512x64xf32>, vector<248x64xf32> -> vector<760x64xf32>
    %concatenate3A_31 = tpu.concatenate %concatenate3A, %concatenate3A_19, %concatenate3A_30 in 1 : vector<760x64xf32>, vector<760x64xf32>, vector<760x64xf32> -> vector<760x192xf32>
    %convert_element_type3A = arith.truncf %concatenate3A_31 : vector<760x192xf32> to vector<760x192xbf16>
    %convert_element_type3A_32 = arith.extf %convert_element_type3A : vector<760x192xbf16> to vector<760x192xf32>
    %sub3A = arith.subf %concatenate3A_31, %convert_element_type3A_32 : vector<760x192xf32>
    %convert_element_type3A_33 = arith.truncf %sub3A : vector<760x192xf32> to vector<760x192xbf16>
    %get3A_34 = arith.constant 0 : index
    %get3A_35 = arith.constant 0 : index
    %get3A_36 = vector.load %arg8[%get3A_34, %get3A_35] : memref<192x144xbf16, #tpu.memory_space<vmem>>, vector<192x144xbf16>
    %get3A_37 = arith.constant 0 : index
    %get3A_38 = arith.constant 0 : index
    %get3A_39 = vector.load %arg9[%get3A_37, %get3A_38] : memref<192x144xbf16, #tpu.memory_space<vmem>>, vector<192x144xbf16>
    %dot_general3A = arith.constant dense<0.000000e+00> : vector<760x144xf32>
    %dot_general3A_40 = tpu.matmul %convert_element_type3A, %get3A_36, %dot_general3A {dimension_numbers = #tpu.dot_dimension_numbers<[1], [0], [0], [1], [0, 0, 1, 1], [], []>, transpose_lhs_hint = false} : vector<760x192xbf16>, vector<192x144xbf16>, vector<760x144xf32> -> vector<760x144xf32>
    %dot_general3A_41 = arith.constant dense<0.000000e+00> : vector<760x144xf32>
    %dot_general3A_42 = tpu.matmul %convert_element_type3A, %get3A_39, %dot_general3A_41 {dimension_numbers = #tpu.dot_dimension_numbers<[1], [0], [0], [1], [0, 0, 1, 1], [], []>, transpose_lhs_hint = false} : vector<760x192xbf16>, vector<192x144xbf16>, vector<760x144xf32> -> vector<760x144xf32>
    %add3A = arith.addf %dot_general3A_40, %dot_general3A_42 : vector<760x144xf32>
    %dot_general3A_43 = arith.constant dense<0.000000e+00> : vector<760x144xf32>
    %dot_general3A_44 = tpu.matmul %convert_element_type3A_33, %get3A_36, %dot_general3A_43 {dimension_numbers = #tpu.dot_dimension_numbers<[1], [0], [0], [1], [0, 0, 1, 1], [], []>, transpose_lhs_hint = false} : vector<760x192xbf16>, vector<192x144xbf16>, vector<760x144xf32> -> vector<760x144xf32>
    %add3A_45 = arith.addf %add3A, %dot_general3A_44 : vector<760x144xf32>
    %broadcast_in_dim3A = arith.constant 0.000000e+00 : f32
    %broadcast_in_dim3A_46 = vector.broadcast %broadcast_in_dim3A : f32 to vector<512x16xf32>
    %slice3A = vector.extract_strided_slice %add3A_45 {offsets = [81, 0], sizes = [512, 16], strides = [1, 1]} : vector<760x144xf32> to vector<512x16xf32>
    %add3A_47 = arith.addf %broadcast_in_dim3A_46, %slice3A : vector<512x16xf32>
    %slice3A_48 = vector.extract_strided_slice %add3A_45 {offsets = [82, 16], sizes = [512, 16], strides = [1, 1]} : vector<760x144xf32> to vector<512x16xf32>
    %add3A_49 = arith.addf %add3A_47, %slice3A_48 : vector<512x16xf32>
    %slice3A_50 = vector.extract_strided_slice %add3A_45 {offsets = [83, 32], sizes = [512, 16], strides = [1, 1]} : vector<760x144xf32> to vector<512x16xf32>
    %add3A_51 = arith.addf %add3A_49, %slice3A_50 : vector<512x16xf32>
    %slice3A_52 = vector.extract_strided_slice %add3A_45 {offsets = [163, 48], sizes = [512, 16], strides = [1, 1]} : vector<760x144xf32> to vector<512x16xf32>
    %add3A_53 = arith.addf %add3A_51, %slice3A_52 : vector<512x16xf32>
    %slice3A_54 = vector.extract_strided_slice %add3A_45 {offsets = [164, 64], sizes = [512, 16], strides = [1, 1]} : vector<760x144xf32> to vector<512x16xf32>
    %add3A_55 = arith.addf %add3A_53, %slice3A_54 : vector<512x16xf32>
    %slice3A_56 = vector.extract_strided_slice %add3A_45 {offsets = [165, 80], sizes = [512, 16], strides = [1, 1]} : vector<760x144xf32> to vector<512x16xf32>
    %add3A_57 = arith.addf %add3A_55, %slice3A_56 : vector<512x16xf32>
    %slice3A_58 = vector.extract_strided_slice %add3A_45 {offsets = [245, 96], sizes = [512, 16], strides = [1, 1]} : vector<760x144xf32> to vector<512x16xf32>
    %add3A_59 = arith.addf %add3A_57, %slice3A_58 : vector<512x16xf32>
    %slice3A_60 = vector.extract_strided_slice %add3A_45 {offsets = [246, 112], sizes = [512, 16], strides = [1, 1]} : vector<760x144xf32> to vector<512x16xf32>
    %add3A_61 = arith.addf %add3A_59, %slice3A_60 : vector<512x16xf32>
    %slice3A_62 = vector.extract_strided_slice %add3A_45 {offsets = [247, 128], sizes = [512, 16], strides = [1, 1]} : vector<760x144xf32> to vector<512x16xf32>
    %add3A_63 = arith.addf %add3A_61, %slice3A_62 : vector<512x16xf32>
    %get3A_64 = arith.constant 0 : index
    %get3A_65 = arith.constant 0 : index
    %get3A_66 = arith.constant 0 : index
    %get3A_67 = vector.load %arg11[%get3A_64, %get3A_65, %get3A_66] : memref<1x512x1xf32, #tpu.memory_space<vmem>>, vector<1x512x1xf32>
    %get3A_68 = vector.shape_cast %get3A_67 : vector<1x512x1xf32> to vector<512x1xf32>
    %mul3A = vector.broadcast %get3A_68 : vector<512x1xf32> to vector<512x16xf32>
    %mul3A_69 = arith.mulf %add3A_63, %mul3A : vector<512x16xf32>
    %get3A_70 = arith.constant 0 : index
    %get3A_71 = arith.constant 0 : index
    %get3A_72 = vector.load %arg10[%get3A_70, %get3A_71] : memref<1x16xf32, #tpu.memory_space<vmem>>, vector<1x16xf32>
    %get3A_73 = vector.shape_cast %get3A_72 : vector<1x16xf32> to vector<16xf32>
    %broadcast_in_dim3A_74 = vector.shape_cast %get3A_73 : vector<16xf32> to vector<1x16xf32>
    %add3A_75 = vector.broadcast %broadcast_in_dim3A_74 : vector<1x16xf32> to vector<512x16xf32>
    %add3A_76 = arith.addf %mul3A_69, %add3A_75 : vector<512x16xf32>
    %mul3A_77 = vector.broadcast %get3A_68 : vector<512x1xf32> to vector<512x16xf32>
    %mul3A_78 = arith.mulf %add3A_76, %mul3A_77 : vector<512x16xf32>
    %max3A = arith.constant 0.000000e+00 : f32
    %max3A_79 = vector.broadcast %max3A : f32 to vector<512x16xf32>
    %max3A_80 = arith.maximumf %mul3A_78, %max3A_79 : vector<512x16xf32>
    %swap3A = arith.constant 0 : index
    %swap3A_81 = arith.constant 0 : index
    %swap3A_82 = arith.constant 0 : index
    %swap3A_83 = vector.load %arg12[%swap3A, %swap3A_81, %swap3A_82] : memref<1x512x16xf32, #tpu.memory_space<vmem>>, vector<1x512x16xf32>
    %swap3A_84 = vector.shape_cast %swap3A_83 : vector<1x512x16xf32> to vector<512x16xf32>
    %swap3A_85 = vector.shape_cast %max3A_80 : vector<512x16xf32> to vector<1x512x16xf32>
    tpu.vector_store %arg12[%swap3A, %swap3A_81, %swap3A_82], %swap3A_85 {strides = array<i32>} : memref<1x512x16xf32, #tpu.memory_space<vmem>>, vector<1x512x16xf32>,
    return
  }
  func.func @transform_0(%arg0: i32, %arg1: i32) -> (i32, i32, i32) {
    %add3A = arith.constant 0 : i32
    %add3A_0 = arith.addi %arg0, %add3A : i32
    %c0_i32 = arith.constant 0 : i32
    %c0_i32_1 = arith.constant 0 : i32
    return %add3A_0, %arg1, %c0_i32 : i32, i32, i32
  }
  func.func @transform_1(%arg0: i32, %arg1: i32) -> (i32, i32, i32) {
    %add3A = arith.constant 0 : i32
    %add3A_0 = arith.addi %arg0, %add3A : i32
    %add3A_1 = arith.constant 1 : i32
    %add3A_2 = arith.addi %arg1, %add3A_1 : i32
    %c0_i32 = arith.constant 0 : i32
    %c0_i32_3 = arith.constant 0 : i32
    return %add3A_0, %add3A_2, %c0_i32 : i32, i32, i32
  }
  func.func @transform_2(%arg0: i32, %arg1: i32) -> (i32, i32, i32) {
    %add3A = arith.constant 1 : i32
    %add3A_0 = arith.addi %arg0, %add3A : i32
    %c0_i32 = arith.constant 0 : i32
    %c0_i32_1 = arith.constant 0 : i32
    return %add3A_0, %arg1, %c0_i32 : i32, i32, i32
  }
  func.func @transform_3(%arg0: i32, %arg1: i32) -> (i32, i32, i32) {
    %add3A = arith.constant 1 : i32
    %add3A_0 = arith.addi %arg0, %add3A : i32
    %add3A_1 = arith.constant 1 : i32
    %add3A_2 = arith.addi %arg1, %add3A_1 : i32
    %c0_i32 = arith.constant 0 : i32
    %c0_i32_3 = arith.constant 0 : i32
    return %add3A_0, %add3A_2, %c0_i32 : i32, i32, i32
  }
  func.func @transform_4(%arg0: i32, %arg1: i32) -> (i32, i32, i32) {
    %add3A = arith.constant 2 : i32
    %add3A_0 = arith.addi %arg0, %add3A : i32
    %c0_i32 = arith.constant 0 : i32
    %c0_i32_1 = arith.constant 0 : i32
    return %add3A_0, %arg1, %c0_i32 : i32, i32, i32
  }
  func.func @transform_5(%arg0: i32, %arg1: i32) -> (i32, i32, i32) {
    %add3A = arith.constant 2 : i32
    %add3A_0 = arith.addi %arg0, %add3A : i32
    %add3A_1 = arith.constant 1 : i32
    %add3A_2 = arith.addi %arg1, %add3A_1 : i32
    %c0_i32 = arith.constant 0 : i32
    %c0_i32_3 = arith.constant 0 : i32
    return %add3A_0, %add3A_2, %c0_i32 : i32, i32, i32
  }
  func.func @transform_6(%arg0: i32, %arg1: i32) -> (i32, i32) {
    %c0_i32 = arith.constant 0 : i32
    %c0_i32_0 = arith.constant 0 : i32
    %c0_i32_1 = arith.constant 0 : i32
    return %c0_i32, %c0_i32_0 : i32, i32
  }
  func.func @transform_7(%arg0: i32, %arg1: i32) -> (i32, i32) {
    %c0_i32 = arith.constant 0 : i32
    %c0_i32_0 = arith.constant 0 : i32
    %c0_i32_1 = arith.constant 0 : i32
    return %c0_i32, %c0_i32_0 : i32, i32
  }
  func.func @transform_8(%arg0: i32, %arg1: i32) -> (i32, i32) {
    %c0_i32 = arith.constant 0 : i32
    %c0_i32_0 = arith.constant 0 : i32
    %c0_i32_1 = arith.constant 0 : i32
    return %c0_i32, %c0_i32_0 : i32, i32
  }
  func.func @transform_9(%arg0: i32, %arg1: i32) -> (i32, i32, i32) {
    %c0_i32 = arith.constant 0 : i32
    %c0_i32_0 = arith.constant 0 : i32
    return %arg0, %arg1, %c0_i32 : i32, i32, i32
  }
  func.func @transform_10(%arg0: i32, %arg1: i32) -> (i32, i32, i32) {
    %c0_i32 = arith.constant 0 : i32
    %c0_i32_0 = arith.constant 0 : i32
    return %arg0, %arg1, %c0_i32 : i32, i32, i32
  }
}

module attributes {stable_mosaic.version = 14 : i64} {
  func.func @_subm_body(%arg0: i32, %arg1: i32, %arg2: memref<1x512x16xf32, #tpu.memory_space<vmem>>, %arg3: memref<1x512x16xf32, #tpu.memory_space<vmem>>, %arg4: memref<1x512x16xf32, #tpu.memory_space<vmem>>, %arg5: memref<1x512x16xf32, #tpu.memory_space<vmem>>, %arg6: memref<1x512x16xf32, #tpu.memory_space<vmem>>, %arg7: memref<1x512x16xf32, #tpu.memory_space<vmem>>, %arg8: memref<48x144xbf16, #tpu.memory_space<vmem>>, %arg9: memref<48x144xbf16, #tpu.memory_space<vmem>>, %arg10: memref<1x16xf32, #tpu.memory_space<vmem>>, %arg11: memref<1x512x1xf32, #tpu.memory_space<vmem>>, %arg12: memref<1x512x16xf32, #tpu.memory_space<vmem>>) attributes {dimension_semantics = [#tpu.dimension_semantics<arbitrary>, #tpu.dimension_semantics<arbitrary>], iteration_bounds = array<i64: 41, 14>, scalar_prefetch = 0 : i64, scratch_operands = 0 : i64, tpu.core_type = #tpu.core_type<tc>, window_params = [{transform_indices = @transform_0, window_bounds = array<i64: 1, 512, 16>}, {transform_indices = @transform_1, window_bounds = array<i64: 1, 512, 16>}, {transform_indices = @transform_2, window_bounds = array<i64: 1, 512, 16>}, {transform_indices = @transform_3, window_bounds = array<i64: 1, 512, 16>}, {transform_indices = @transform_4, window_bounds = array<i64: 1, 512, 16>}, {transform_indices = @transform_5, window_bounds = array<i64: 1, 512, 16>}, {pipeline_mode = #tpu.pipeline_mode<synchronous>, transform_indices = @transform_6, window_bounds = array<i64: 48, 144>}, {pipeline_mode = #tpu.pipeline_mode<synchronous>, transform_indices = @transform_7, window_bounds = array<i64: 48, 144>}, {pipeline_mode = #tpu.pipeline_mode<synchronous>, transform_indices = @transform_8, window_bounds = array<i64: 1, 16>}, {transform_indices = @transform_9, window_bounds = array<i64: 1, 512, 1>}, {transform_indices = @transform_10, window_bounds = array<i64: 1, 512, 16>}]} {
    %get3A = arith.constant 0 : index
    %get3A_0 = arith.constant 0 : index
    %get3A_1 = arith.constant 0 : index
    %get3A_2 = vector.load %arg2[%get3A, %get3A_0, %get3A_1] : memref<1x512x16xf32, #tpu.memory_space<vmem>>, vector<1x512x16xf32>
    %get3A_3 = vector.shape_cast %get3A_2 : vector<1x512x16xf32> to vector<512x16xf32>
    %get3A_4 = arith.constant 0 : index
    %get3A_5 = arith.constant 0 : index
    %get3A_6 = arith.constant 0 : index
    %get3A_7 = vector.load %arg3[%get3A_4, %get3A_5, %get3A_6] : memref<1x512x16xf32, #tpu.memory_space<vmem>>, vector<1x248x16xf32>
    %get3A_8 = vector.shape_cast %get3A_7 : vector<1x248x16xf32> to vector<248x16xf32>
    %concatenate3A = tpu.concatenate %get3A_3, %get3A_8 in 0 : vector<512x16xf32>, vector<248x16xf32> -> vector<760x16xf32>
    %get3A_9 = arith.constant 0 : index
    %get3A_10 = arith.constant 0 : index
    %get3A_11 = arith.constant 0 : index
    %get3A_12 = vector.load %arg4[%get3A_9, %get3A_10, %get3A_11] : memref<1x512x16xf32, #tpu.memory_space<vmem>>, vector<1x512x16xf32>
    %get3A_13 = vector.shape_cast %get3A_12 : vector<1x512x16xf32> to vector<512x16xf32>
    %get3A_14 = arith.constant 0 : index
    %get3A_15 = arith.constant 0 : index
    %get3A_16 = arith.constant 0 : index
    %get3A_17 = vector.load %arg5[%get3A_14, %get3A_15, %get3A_16] : memref<1x512x16xf32, #tpu.memory_space<vmem>>, vector<1x248x16xf32>
    %get3A_18 = vector.shape_cast %get3A_17 : vector<1x248x16xf32> to vector<248x16xf32>
    %concatenate3A_19 = tpu.concatenate %get3A_13, %get3A_18 in 0 : vector<512x16xf32>, vector<248x16xf32> -> vector<760x16xf32>
    %get3A_20 = arith.constant 0 : index
    %get3A_21 = arith.constant 0 : index
    %get3A_22 = arith.constant 0 : index
    %get3A_23 = vector.load %arg6[%get3A_20, %get3A_21, %get3A_22] : memref<1x512x16xf32, #tpu.memory_space<vmem>>, vector<1x512x16xf32>
    %get3A_24 = vector.shape_cast %get3A_23 : vector<1x512x16xf32> to vector<512x16xf32>
    %get3A_25 = arith.constant 0 : index
    %get3A_26 = arith.constant 0 : index
    %get3A_27 = arith.constant 0 : index
    %get3A_28 = vector.load %arg7[%get3A_25, %get3A_26, %get3A_27] : memref<1x512x16xf32, #tpu.memory_space<vmem>>, vector<1x248x16xf32>
    %get3A_29 = vector.shape_cast %get3A_28 : vector<1x248x16xf32> to vector<248x16xf32>
    %concatenate3A_30 = tpu.concatenate %get3A_24, %get3A_29 in 0 : vector<512x16xf32>, vector<248x16xf32> -> vector<760x16xf32>
    %concatenate3A_31 = tpu.concatenate %concatenate3A, %concatenate3A_19, %concatenate3A_30 in 1 : vector<760x16xf32>, vector<760x16xf32>, vector<760x16xf32> -> vector<760x48xf32>
    %convert_element_type3A = arith.truncf %concatenate3A_31 : vector<760x48xf32> to vector<760x48xbf16>
    %convert_element_type3A_32 = arith.extf %convert_element_type3A : vector<760x48xbf16> to vector<760x48xf32>
    %sub3A = arith.subf %concatenate3A_31, %convert_element_type3A_32 : vector<760x48xf32>
    %convert_element_type3A_33 = arith.truncf %sub3A : vector<760x48xf32> to vector<760x48xbf16>
    %get3A_34 = arith.constant 0 : index
    %get3A_35 = arith.constant 0 : index
    %get3A_36 = vector.load %arg8[%get3A_34, %get3A_35] : memref<48x144xbf16, #tpu.memory_space<vmem>>, vector<48x144xbf16>
    %get3A_37 = arith.constant 0 : index
    %get3A_38 = arith.constant 0 : index
    %get3A_39 = vector.load %arg9[%get3A_37, %get3A_38] : memref<48x144xbf16, #tpu.memory_space<vmem>>, vector<48x144xbf16>
    %dot_general3A = arith.constant dense<0.000000e+00> : vector<760x144xf32>
    %dot_general3A_40 = tpu.matmul %convert_element_type3A, %get3A_36, %dot_general3A {dimension_numbers = #tpu.dot_dimension_numbers<[1], [0], [0], [1], [0, 0, 1, 1], [], []>, transpose_lhs_hint = false} : vector<760x48xbf16>, vector<48x144xbf16>, vector<760x144xf32> -> vector<760x144xf32>
    %dot_general3A_41 = arith.constant dense<0.000000e+00> : vector<760x144xf32>
    %dot_general3A_42 = tpu.matmul %convert_element_type3A, %get3A_39, %dot_general3A_41 {dimension_numbers = #tpu.dot_dimension_numbers<[1], [0], [0], [1], [0, 0, 1, 1], [], []>, transpose_lhs_hint = false} : vector<760x48xbf16>, vector<48x144xbf16>, vector<760x144xf32> -> vector<760x144xf32>
    %add3A = arith.addf %dot_general3A_40, %dot_general3A_42 : vector<760x144xf32>
    %dot_general3A_43 = arith.constant dense<0.000000e+00> : vector<760x144xf32>
    %dot_general3A_44 = tpu.matmul %convert_element_type3A_33, %get3A_36, %dot_general3A_43 {dimension_numbers = #tpu.dot_dimension_numbers<[1], [0], [0], [1], [0, 0, 1, 1], [], []>, transpose_lhs_hint = false} : vector<760x48xbf16>, vector<48x144xbf16>, vector<760x144xf32> -> vector<760x144xf32>
    %add3A_45 = arith.addf %add3A, %dot_general3A_44 : vector<760x144xf32>
    %broadcast_in_dim3A = arith.constant 0.000000e+00 : f32
    %broadcast_in_dim3A_46 = vector.broadcast %broadcast_in_dim3A : f32 to vector<512x16xf32>
    %slice3A = vector.extract_strided_slice %add3A_45 {offsets = [81, 0], sizes = [512, 16], strides = [1, 1]} : vector<760x144xf32> to vector<512x16xf32>
    %add3A_47 = arith.addf %broadcast_in_dim3A_46, %slice3A : vector<512x16xf32>
    %slice3A_48 = vector.extract_strided_slice %add3A_45 {offsets = [82, 16], sizes = [512, 16], strides = [1, 1]} : vector<760x144xf32> to vector<512x16xf32>
    %add3A_49 = arith.addf %add3A_47, %slice3A_48 : vector<512x16xf32>
    %slice3A_50 = vector.extract_strided_slice %add3A_45 {offsets = [83, 32], sizes = [512, 16], strides = [1, 1]} : vector<760x144xf32> to vector<512x16xf32>
    %add3A_51 = arith.addf %add3A_49, %slice3A_50 : vector<512x16xf32>
    %slice3A_52 = vector.extract_strided_slice %add3A_45 {offsets = [163, 48], sizes = [512, 16], strides = [1, 1]} : vector<760x144xf32> to vector<512x16xf32>
    %add3A_53 = arith.addf %add3A_51, %slice3A_52 : vector<512x16xf32>
    %slice3A_54 = vector.extract_strided_slice %add3A_45 {offsets = [164, 64], sizes = [512, 16], strides = [1, 1]} : vector<760x144xf32> to vector<512x16xf32>
    %add3A_55 = arith.addf %add3A_53, %slice3A_54 : vector<512x16xf32>
    %slice3A_56 = vector.extract_strided_slice %add3A_45 {offsets = [165, 80], sizes = [512, 16], strides = [1, 1]} : vector<760x144xf32> to vector<512x16xf32>
    %add3A_57 = arith.addf %add3A_55, %slice3A_56 : vector<512x16xf32>
    %slice3A_58 = vector.extract_strided_slice %add3A_45 {offsets = [245, 96], sizes = [512, 16], strides = [1, 1]} : vector<760x144xf32> to vector<512x16xf32>
    %add3A_59 = arith.addf %add3A_57, %slice3A_58 : vector<512x16xf32>
    %slice3A_60 = vector.extract_strided_slice %add3A_45 {offsets = [246, 112], sizes = [512, 16], strides = [1, 1]} : vector<760x144xf32> to vector<512x16xf32>
    %add3A_61 = arith.addf %add3A_59, %slice3A_60 : vector<512x16xf32>
    %slice3A_62 = vector.extract_strided_slice %add3A_45 {offsets = [247, 128], sizes = [512, 16], strides = [1, 1]} : vector<760x144xf32> to vector<512x16xf32>
    %add3A_63 = arith.addf %add3A_61, %slice3A_62 : vector<512x16xf32>
    %get3A_64 = arith.constant 0 : index
    %get3A_65 = arith.constant 0 : index
    %get3A_66 = arith.constant 0 : index
    %get3A_67 = vector.load %arg11[%get3A_64, %get3A_65, %get3A_66] : memref<1x512x1xf32, #tpu.memory_space<vmem>>, vector<1x512x1xf32>
    %get3A_68 = vector.shape_cast %get3A_67 : vector<1x512x1xf32> to vector<512x1xf32>
    %mul3A = vector.broadcast %get3A_68 : vector<512x1xf32> to vector<512x16xf32>
    %mul3A_69 = arith.mulf %add3A_63, %mul3A : vector<512x16xf32>
    %get3A_70 = arith.constant 0 : index
    %get3A_71 = arith.constant 0 : index
    %get3A_72 = vector.load %arg10[%get3A_70, %get3A_71] : memref<1x16xf32, #tpu.memory_space<vmem>>, vector<1x16xf32>
    %get3A_73 = vector.shape_cast %get3A_72 : vector<1x16xf32> to vector<16xf32>
    %broadcast_in_dim3A_74 = vector.shape_cast %get3A_73 : vector<16xf32> to vector<1x16xf32>
    %add3A_75 = vector.broadcast %broadcast_in_dim3A_74 : vector<1x16xf32> to vector<512x16xf32>
    %add3A_76 = arith.addf %mul3A_69, %add3A_75 : vector<512x16xf32>
    %mul3A_77 = vector.broadcast %get3A_68 : vector<512x1xf32> to vector<512x16xf32>
    %mul3A_78 = arith.mulf %add3A_76, %mul3A_77 : vector<512x16xf32>
    %max3A = arith.constant 0.000000e+00 : f32
    %max3A_79 = vector.broadcast %max3A : f32 to vector<512x16xf32>
    %max3A_80 = arith.maximumf %mul3A_78, %max3A_79 : vector<512x16xf32>
    %swap3A = arith.constant 0 : index
    %swap3A_81 = arith.constant 0 : index
    %swap3A_82 = arith.constant 0 : index
    %swap3A_83 = vector.load %arg12[%swap3A, %swap3A_81, %swap3A_82] : memref<1x512x16xf32, #tpu.memory_space<vmem>>, vector<1x512x16xf32>
    %swap3A_84 = vector.shape_cast %swap3A_83 : vector<1x512x16xf32> to vector<512x16xf32>
    %swap3A_85 = vector.shape_cast %max3A_80 : vector<512x16xf32> to vector<1x512x16xf32>
    tpu.vector_store %arg12[%swap3A, %swap3A_81, %swap3A_82], %swap3A_85 {strides = array<i32>} : memref<1x512x16xf32, #tpu.memory_space<vmem>>, vector<1x512x16xf32>,
    return
  }
  func.func @transform_0(%arg0: i32, %arg1: i32) -> (i32, i32, i32) {
    %add3A = arith.constant 0 : i32
    %add3A_0 = arith.addi %arg0, %add3A : i32
    %c0_i32 = arith.constant 0 : i32
    %c0_i32_1 = arith.constant 0 : i32
    return %add3A_0, %arg1, %c0_i32 : i32, i32, i32
  }
  func.func @transform_1(%arg0: i32, %arg1: i32) -> (i32, i32, i32) {
    %add3A = arith.constant 0 : i32
    %add3A_0 = arith.addi %arg0, %add3A : i32
    %add3A_1 = arith.constant 1 : i32
    %add3A_2 = arith.addi %arg1, %add3A_1 : i32
    %c0_i32 = arith.constant 0 : i32
    %c0_i32_3 = arith.constant 0 : i32
    return %add3A_0, %add3A_2, %c0_i32 : i32, i32, i32
  }
  func.func @transform_2(%arg0: i32, %arg1: i32) -> (i32, i32, i32) {
    %add3A = arith.constant 1 : i32
    %add3A_0 = arith.addi %arg0, %add3A : i32
    %c0_i32 = arith.constant 0 : i32
    %c0_i32_1 = arith.constant 0 : i32
    return %add3A_0, %arg1, %c0_i32 : i32, i32, i32
  }
  func.func @transform_3(%arg0: i32, %arg1: i32) -> (i32, i32, i32) {
    %add3A = arith.constant 1 : i32
    %add3A_0 = arith.addi %arg0, %add3A : i32
    %add3A_1 = arith.constant 1 : i32
    %add3A_2 = arith.addi %arg1, %add3A_1 : i32
    %c0_i32 = arith.constant 0 : i32
    %c0_i32_3 = arith.constant 0 : i32
    return %add3A_0, %add3A_2, %c0_i32 : i32, i32, i32
  }
  func.func @transform_4(%arg0: i32, %arg1: i32) -> (i32, i32, i32) {
    %add3A = arith.constant 2 : i32
    %add3A_0 = arith.addi %arg0, %add3A : i32
    %c0_i32 = arith.constant 0 : i32
    %c0_i32_1 = arith.constant 0 : i32
    return %add3A_0, %arg1, %c0_i32 : i32, i32, i32
  }
  func.func @transform_5(%arg0: i32, %arg1: i32) -> (i32, i32, i32) {
    %add3A = arith.constant 2 : i32
    %add3A_0 = arith.addi %arg0, %add3A : i32
    %add3A_1 = arith.constant 1 : i32
    %add3A_2 = arith.addi %arg1, %add3A_1 : i32
    %c0_i32 = arith.constant 0 : i32
    %c0_i32_3 = arith.constant 0 : i32
    return %add3A_0, %add3A_2, %c0_i32 : i32, i32, i32
  }
  func.func @transform_6(%arg0: i32, %arg1: i32) -> (i32, i32) {
    %c0_i32 = arith.constant 0 : i32
    %c0_i32_0 = arith.constant 0 : i32
    %c0_i32_1 = arith.constant 0 : i32
    return %c0_i32, %c0_i32_0 : i32, i32
  }
  func.func @transform_7(%arg0: i32, %arg1: i32) -> (i32, i32) {
    %c0_i32 = arith.constant 0 : i32
    %c0_i32_0 = arith.constant 0 : i32
    %c0_i32_1 = arith.constant 0 : i32
    return %c0_i32, %c0_i32_0 : i32, i32
  }
  func.func @transform_8(%arg0: i32, %arg1: i32) -> (i32, i32) {
    %c0_i32 = arith.constant 0 : i32
    %c0_i32_0 = arith.constant 0 : i32
    %c0_i32_1 = arith.constant 0 : i32
    return %c0_i32, %c0_i32_0 : i32, i32
  }
  func.func @transform_9(%arg0: i32, %arg1: i32) -> (i32, i32, i32) {
    %c0_i32 = arith.constant 0 : i32
    %c0_i32_0 = arith.constant 0 : i32
    return %arg0, %arg1, %c0_i32 : i32, i32, i32
  }
  func.func @transform_10(%arg0: i32, %arg1: i32) -> (i32, i32, i32) {
    %c0_i32 = arith.constant 0 : i32
    %c0_i32_0 = arith.constant 0 : i32
    return %arg0, %arg1, %c0_i32 : i32, i32, i32
  }
}

module attributes {stable_mosaic.version = 14 : i64} {
  func.func @_sconv_body(%arg0: i32, %arg1: memref<1208x432xf32, #tpu.memory_space<vmem>>, %arg2: memref<1208x27xf32, #tpu.memory_space<vmem>>, %arg3: memref<432x32xbf16, #tpu.memory_space<vmem>>, %arg4: memref<432x32xbf16, #tpu.memory_space<vmem>>, %arg5: memref<1x32xf32, #tpu.memory_space<vmem>>, %arg6: memref<1208x32xf32, #tpu.memory_space<vmem>>, %arg7: memref<1208x1xf32, #tpu.memory_space<vmem>>) attributes {dimension_semantics = [#tpu.dimension_semantics<arbitrary>], iteration_bounds = array<i64: 28>, scalar_prefetch = 0 : i64, scratch_operands = 0 : i64, tpu.core_type = #tpu.core_type<tc>, window_params = [{transform_indices = @transform_0, window_bounds = array<i64: 1208, 432>}, {transform_indices = @transform_1, window_bounds = array<i64: 1208, 27>}, {pipeline_mode = #tpu.pipeline_mode<synchronous>, transform_indices = @transform_2, window_bounds = array<i64: 432, 32>}, {pipeline_mode = #tpu.pipeline_mode<synchronous>, transform_indices = @transform_3, window_bounds = array<i64: 432, 32>}, {pipeline_mode = #tpu.pipeline_mode<synchronous>, transform_indices = @transform_4, window_bounds = array<i64: 1, 32>}, {transform_indices = @transform_5, window_bounds = array<i64: 1208, 32>}, {transform_indices = @transform_6, window_bounds = array<i64: 1208, 1>}]} {
    %get3A = arith.constant 0 : index
    %get3A_0 = arith.constant 0 : index
    %get3A_1 = vector.load %arg1[%get3A, %get3A_0] : memref<1208x432xf32, #tpu.memory_space<vmem>>, vector<1208x432xf32>
    %convert_element_type3A = arith.truncf %get3A_1 : vector<1208x432xf32> to vector<1208x432xbf16>
    %convert_element_type3A_2 = arith.extf %convert_element_type3A : vector<1208x432xbf16> to vector<1208x432xf32>
    %sub3A = arith.subf %get3A_1, %convert_element_type3A_2 : vector<1208x432xf32>
    %convert_element_type3A_3 = arith.truncf %sub3A : vector<1208x432xf32> to vector<1208x432xbf16>
    %get3A_4 = arith.constant 0 : index
    %get3A_5 = arith.constant 0 : index
    %get3A_6 = vector.load %arg3[%get3A_4, %get3A_5] : memref<432x32xbf16, #tpu.memory_space<vmem>>, vector<432x32xbf16>
    %get3A_7 = arith.constant 0 : index
    %get3A_8 = arith.constant 0 : index
    %get3A_9 = vector.load %arg4[%get3A_7, %get3A_8] : memref<432x32xbf16, #tpu.memory_space<vmem>>, vector<432x32xbf16>
    %dot_general3A = arith.constant dense<0.000000e+00> : vector<1208x32xf32>
    %dot_general3A_10 = tpu.matmul %convert_element_type3A, %get3A_6, %dot_general3A {dimension_numbers = #tpu.dot_dimension_numbers<[1], [0], [0], [1], [0, 0, 1, 1], [], []>, transpose_lhs_hint = false} : vector<1208x432xbf16>, vector<432x32xbf16>, vector<1208x32xf32> -> vector<1208x32xf32>
    %dot_general3A_11 = arith.constant dense<0.000000e+00> : vector<1208x32xf32>
    %dot_general3A_12 = tpu.matmul %convert_element_type3A, %get3A_9, %dot_general3A_11 {dimension_numbers = #tpu.dot_dimension_numbers<[1], [0], [0], [1], [0, 0, 1, 1], [], []>, transpose_lhs_hint = false} : vector<1208x432xbf16>, vector<432x32xbf16>, vector<1208x32xf32> -> vector<1208x32xf32>
    %add3A = arith.addf %dot_general3A_10, %dot_general3A_12 : vector<1208x32xf32>
    %dot_general3A_13 = arith.constant dense<0.000000e+00> : vector<1208x32xf32>
    %dot_general3A_14 = tpu.matmul %convert_element_type3A_3, %get3A_6, %dot_general3A_13 {dimension_numbers = #tpu.dot_dimension_numbers<[1], [0], [0], [1], [0, 0, 1, 1], [], []>, transpose_lhs_hint = false} : vector<1208x432xbf16>, vector<432x32xbf16>, vector<1208x32xf32> -> vector<1208x32xf32>
    %add3A_15 = arith.addf %add3A, %dot_general3A_14 : vector<1208x32xf32>
    %get3A_16 = arith.constant 0 : index
    %get3A_17 = arith.constant 0 : index
    %get3A_18 = vector.load %arg2[%get3A_16, %get3A_17] : memref<1208x27xf32, #tpu.memory_space<vmem>>, vector<1208x27xf32>
    %reduce_sum3A = arith.constant dense<0.000000e+00> : vector<1208xf32>
    %reduce_sum3A_19 = vector.multi_reduction <add>, %get3A_18, %reduce_sum3A [1] : vector<1208x27xf32> to vector<1208xf32>
    %broadcast_in_dim3A = vector.shape_cast %reduce_sum3A_19 : vector<1208xf32> to vector<1208x1xf32>
    %gt3A = arith.constant 0.000000e+00 : f32
    %gt3A_20 = vector.broadcast %gt3A : f32 to vector<1208x1xf32>
    %gt3A_21 = arith.cmpf ogt, %broadcast_in_dim3A, %gt3A_20 : vector<1208x1xf32>
    %convert_element_type3A_22 = arith.extui %gt3A_21 : vector<1208x1xi1> to vector<1208x1xi32>
    %convert_element_type3A_23 = arith.sitofp %convert_element_type3A_22 : vector<1208x1xi32> to vector<1208x1xf32>
    %get3A_24 = arith.constant 0 : index
    %get3A_25 = arith.constant 0 : index
    %get3A_26 = vector.load %arg5[%get3A_24, %get3A_25] : memref<1x32xf32, #tpu.memory_space<vmem>>, vector<1x32xf32>
    %get3A_27 = vector.shape_cast %get3A_26 : vector<1x32xf32> to vector<32xf32>
    %broadcast_in_dim3A_28 = vector.shape_cast %get3A_27 : vector<32xf32> to vector<1x32xf32>
    %add3A_29 = vector.broadcast %broadcast_in_dim3A_28 : vector<1x32xf32> to vector<1208x32xf32>
    %add3A_30 = arith.addf %add3A_15, %add3A_29 : vector<1208x32xf32>
    %mul3A = vector.broadcast %convert_element_type3A_23 : vector<1208x1xf32> to vector<1208x32xf32>
    %mul3A_31 = arith.mulf %add3A_30, %mul3A : vector<1208x32xf32>
    %max3A = arith.constant 0.000000e+00 : f32
    %max3A_32 = vector.broadcast %max3A : f32 to vector<1208x32xf32>
    %max3A_33 = arith.maximumf %mul3A_31, %max3A_32 : vector<1208x32xf32>
    %swap3A = arith.constant 0 : index
    %swap3A_34 = arith.constant 0 : index
    %swap3A_35 = vector.load %arg6[%swap3A, %swap3A_34] : memref<1208x32xf32, #tpu.memory_space<vmem>>, vector<1208x32xf32>
    tpu.vector_store %arg6[%swap3A, %swap3A_34], %max3A_33 {strides = array<i32>} : memref<1208x32xf32, #tpu.memory_space<vmem>>, vector<1208x32xf32>,
    %swap3A_36 = arith.constant 0 : index
    %swap3A_37 = arith.constant 0 : index
    %swap3A_38 = vector.load %arg7[%swap3A_36, %swap3A_37] : memref<1208x1xf32, #tpu.memory_space<vmem>>, vector<1208x1xf32>
    tpu.vector_store %arg7[%swap3A_36, %swap3A_37], %convert_element_type3A_23 {strides = array<i32>} : memref<1208x1xf32, #tpu.memory_space<vmem>>, vector<1208x1xf32>,
    return
  }
  func.func @transform_0(%arg0: i32) -> (i32, i32) {
    %c0_i32 = arith.constant 0 : i32
    %c0_i32_0 = arith.constant 0 : i32
    return %arg0, %c0_i32 : i32, i32
  }
  func.func @transform_1(%arg0: i32) -> (i32, i32) {
    %c0_i32 = arith.constant 0 : i32
    %c0_i32_0 = arith.constant 0 : i32
    return %arg0, %c0_i32 : i32, i32
  }
  func.func @transform_2(%arg0: i32) -> (i32, i32) {
    %c0_i32 = arith.constant 0 : i32
    %c0_i32_0 = arith.constant 0 : i32
    %c0_i32_1 = arith.constant 0 : i32
    return %c0_i32, %c0_i32_0 : i32, i32
  }
  func.func @transform_3(%arg0: i32) -> (i32, i32) {
    %c0_i32 = arith.constant 0 : i32
    %c0_i32_0 = arith.constant 0 : i32
    %c0_i32_1 = arith.constant 0 : i32
    return %c0_i32, %c0_i32_0 : i32, i32
  }
  func.func @transform_4(%arg0: i32) -> (i32, i32) {
    %c0_i32 = arith.constant 0 : i32
    %c0_i32_0 = arith.constant 0 : i32
    %c0_i32_1 = arith.constant 0 : i32
    return %c0_i32, %c0_i32_0 : i32, i32
  }
  func.func @transform_5(%arg0: i32) -> (i32, i32) {
    %c0_i32 = arith.constant 0 : i32
    %c0_i32_0 = arith.constant 0 : i32
    return %arg0, %c0_i32 : i32, i32
  }
  func.func @transform_6(%arg0: i32) -> (i32, i32) {
    %c0_i32 = arith.constant 0 : i32
    %c0_i32_0 = arith.constant 0 : i32
    return %arg0, %c0_i32 : i32, i32
  }
}

module attributes {stable_mosaic.version = 14 : i64} {
  func.func @_subm_body(%arg0: i32, %arg1: i32, %arg2: memref<1x512x32xf32, #tpu.memory_space<vmem>>, %arg3: memref<1x512x32xf32, #tpu.memory_space<vmem>>, %arg4: memref<1x512x32xf32, #tpu.memory_space<vmem>>, %arg5: memref<1x512x32xf32, #tpu.memory_space<vmem>>, %arg6: memref<1x512x32xf32, #tpu.memory_space<vmem>>, %arg7: memref<1x512x32xf32, #tpu.memory_space<vmem>>, %arg8: memref<96x288xbf16, #tpu.memory_space<vmem>>, %arg9: memref<96x288xbf16, #tpu.memory_space<vmem>>, %arg10: memref<1x32xf32, #tpu.memory_space<vmem>>, %arg11: memref<1x512x1xf32, #tpu.memory_space<vmem>>, %arg12: memref<1x512x32xf32, #tpu.memory_space<vmem>>) attributes {dimension_semantics = [#tpu.dimension_semantics<arbitrary>, #tpu.dimension_semantics<arbitrary>], iteration_bounds = array<i64: 21, 4>, scalar_prefetch = 0 : i64, scratch_operands = 0 : i64, tpu.core_type = #tpu.core_type<tc>, window_params = [{transform_indices = @transform_0, window_bounds = array<i64: 1, 512, 32>}, {transform_indices = @transform_1, window_bounds = array<i64: 1, 512, 32>}, {transform_indices = @transform_2, window_bounds = array<i64: 1, 512, 32>}, {transform_indices = @transform_3, window_bounds = array<i64: 1, 512, 32>}, {transform_indices = @transform_4, window_bounds = array<i64: 1, 512, 32>}, {transform_indices = @transform_5, window_bounds = array<i64: 1, 512, 32>}, {pipeline_mode = #tpu.pipeline_mode<synchronous>, transform_indices = @transform_6, window_bounds = array<i64: 96, 288>}, {pipeline_mode = #tpu.pipeline_mode<synchronous>, transform_indices = @transform_7, window_bounds = array<i64: 96, 288>}, {pipeline_mode = #tpu.pipeline_mode<synchronous>, transform_indices = @transform_8, window_bounds = array<i64: 1, 32>}, {transform_indices = @transform_9, window_bounds = array<i64: 1, 512, 1>}, {transform_indices = @transform_10, window_bounds = array<i64: 1, 512, 32>}]} {
    %get3A = arith.constant 0 : index
    %get3A_0 = arith.constant 0 : index
    %get3A_1 = arith.constant 0 : index
    %get3A_2 = vector.load %arg2[%get3A, %get3A_0, %get3A_1] : memref<1x512x32xf32, #tpu.memory_space<vmem>>, vector<1x512x32xf32>
    %get3A_3 = vector.shape_cast %get3A_2 : vector<1x512x32xf32> to vector<512x32xf32>
    %get3A_4 = arith.constant 0 : index
    %get3A_5 = arith.constant 0 : index
    %get3A_6 = arith.constant 0 : index
    %get3A_7 = vector.load %arg3[%get3A_4, %get3A_5, %get3A_6] : memref<1x512x32xf32, #tpu.memory_space<vmem>>, vector<1x128x32xf32>
    %get3A_8 = vector.shape_cast %get3A_7 : vector<1x128x32xf32> to vector<128x32xf32>
    %concatenate3A = tpu.concatenate %get3A_3, %get3A_8 in 0 : vector<512x32xf32>, vector<128x32xf32> -> vector<640x32xf32>
    %get3A_9 = arith.constant 0 : index
    %get3A_10 = arith.constant 0 : index
    %get3A_11 = arith.constant 0 : index
    %get3A_12 = vector.load %arg4[%get3A_9, %get3A_10, %get3A_11] : memref<1x512x32xf32, #tpu.memory_space<vmem>>, vector<1x512x32xf32>
    %get3A_13 = vector.shape_cast %get3A_12 : vector<1x512x32xf32> to vector<512x32xf32>
    %get3A_14 = arith.constant 0 : index
    %get3A_15 = arith.constant 0 : index
    %get3A_16 = arith.constant 0 : index
    %get3A_17 = vector.load %arg5[%get3A_14, %get3A_15, %get3A_16] : memref<1x512x32xf32, #tpu.memory_space<vmem>>, vector<1x128x32xf32>
    %get3A_18 = vector.shape_cast %get3A_17 : vector<1x128x32xf32> to vector<128x32xf32>
    %concatenate3A_19 = tpu.concatenate %get3A_13, %get3A_18 in 0 : vector<512x32xf32>, vector<128x32xf32> -> vector<640x32xf32>
    %get3A_20 = arith.constant 0 : index
    %get3A_21 = arith.constant 0 : index
    %get3A_22 = arith.constant 0 : index
    %get3A_23 = vector.load %arg6[%get3A_20, %get3A_21, %get3A_22] : memref<1x512x32xf32, #tpu.memory_space<vmem>>, vector<1x512x32xf32>
    %get3A_24 = vector.shape_cast %get3A_23 : vector<1x512x32xf32> to vector<512x32xf32>
    %get3A_25 = arith.constant 0 : index
    %get3A_26 = arith.constant 0 : index
    %get3A_27 = arith.constant 0 : index
    %get3A_28 = vector.load %arg7[%get3A_25, %get3A_26, %get3A_27] : memref<1x512x32xf32, #tpu.memory_space<vmem>>, vector<1x128x32xf32>
    %get3A_29 = vector.shape_cast %get3A_28 : vector<1x128x32xf32> to vector<128x32xf32>
    %concatenate3A_30 = tpu.concatenate %get3A_24, %get3A_29 in 0 : vector<512x32xf32>, vector<128x32xf32> -> vector<640x32xf32>
    %concatenate3A_31 = tpu.concatenate %concatenate3A, %concatenate3A_19, %concatenate3A_30 in 1 : vector<640x32xf32>, vector<640x32xf32>, vector<640x32xf32> -> vector<640x96xf32>
    %convert_element_type3A = arith.truncf %concatenate3A_31 : vector<640x96xf32> to vector<640x96xbf16>
    %convert_element_type3A_32 = arith.extf %convert_element_type3A : vector<640x96xbf16> to vector<640x96xf32>
    %sub3A = arith.subf %concatenate3A_31, %convert_element_type3A_32 : vector<640x96xf32>
    %convert_element_type3A_33 = arith.truncf %sub3A : vector<640x96xf32> to vector<640x96xbf16>
    %get3A_34 = arith.constant 0 : index
    %get3A_35 = arith.constant 0 : index
    %get3A_36 = vector.load %arg8[%get3A_34, %get3A_35] : memref<96x288xbf16, #tpu.memory_space<vmem>>, vector<96x288xbf16>
    %get3A_37 = arith.constant 0 : index
    %get3A_38 = arith.constant 0 : index
    %get3A_39 = vector.load %arg9[%get3A_37, %get3A_38] : memref<96x288xbf16, #tpu.memory_space<vmem>>, vector<96x288xbf16>
    %dot_general3A = arith.constant dense<0.000000e+00> : vector<640x288xf32>
    %dot_general3A_40 = tpu.matmul %convert_element_type3A, %get3A_36, %dot_general3A {dimension_numbers = #tpu.dot_dimension_numbers<[1], [0], [0], [1], [0, 0, 1, 1], [], []>, transpose_lhs_hint = false} : vector<640x96xbf16>, vector<96x288xbf16>, vector<640x288xf32> -> vector<640x288xf32>
    %dot_general3A_41 = arith.constant dense<0.000000e+00> : vector<640x288xf32>
    %dot_general3A_42 = tpu.matmul %convert_element_type3A, %get3A_39, %dot_general3A_41 {dimension_numbers = #tpu.dot_dimension_numbers<[1], [0], [0], [1], [0, 0, 1, 1], [], []>, transpose_lhs_hint = false} : vector<640x96xbf16>, vector<96x288xbf16>, vector<640x288xf32> -> vector<640x288xf32>
    %add3A = arith.addf %dot_general3A_40, %dot_general3A_42 : vector<640x288xf32>
    %dot_general3A_43 = arith.constant dense<0.000000e+00> : vector<640x288xf32>
    %dot_general3A_44 = tpu.matmul %convert_element_type3A_33, %get3A_36, %dot_general3A_43 {dimension_numbers = #tpu.dot_dimension_numbers<[1], [0], [0], [1], [0, 0, 1, 1], [], []>, transpose_lhs_hint = false} : vector<640x96xbf16>, vector<96x288xbf16>, vector<640x288xf32> -> vector<640x288xf32>
    %add3A_45 = arith.addf %add3A, %dot_general3A_44 : vector<640x288xf32>
    %broadcast_in_dim3A = arith.constant 0.000000e+00 : f32
    %broadcast_in_dim3A_46 = vector.broadcast %broadcast_in_dim3A : f32 to vector<512x32xf32>
    %slice3A = vector.extract_strided_slice %add3A_45 {offsets = [41, 0], sizes = [512, 32], strides = [1, 1]} : vector<640x288xf32> to vector<512x32xf32>
    %add3A_47 = arith.addf %broadcast_in_dim3A_46, %slice3A : vector<512x32xf32>
    %slice3A_48 = vector.extract_strided_slice %add3A_45 {offsets = [42, 32], sizes = [512, 32], strides = [1, 1]} : vector<640x288xf32> to vector<512x32xf32>
    %add3A_49 = arith.addf %add3A_47, %slice3A_48 : vector<512x32xf32>
    %slice3A_50 = vector.extract_strided_slice %add3A_45 {offsets = [43, 64], sizes = [512, 32], strides = [1, 1]} : vector<640x288xf32> to vector<512x32xf32>
    %add3A_51 = arith.addf %add3A_49, %slice3A_50 : vector<512x32xf32>
    %slice3A_52 = vector.extract_strided_slice %add3A_45 {offsets = [83, 96], sizes = [512, 32], strides = [1, 1]} : vector<640x288xf32> to vector<512x32xf32>
    %add3A_53 = arith.addf %add3A_51, %slice3A_52 : vector<512x32xf32>
    %slice3A_54 = vector.extract_strided_slice %add3A_45 {offsets = [84, 128], sizes = [512, 32], strides = [1, 1]} : vector<640x288xf32> to vector<512x32xf32>
    %add3A_55 = arith.addf %add3A_53, %slice3A_54 : vector<512x32xf32>
    %slice3A_56 = vector.extract_strided_slice %add3A_45 {offsets = [85, 160], sizes = [512, 32], strides = [1, 1]} : vector<640x288xf32> to vector<512x32xf32>
    %add3A_57 = arith.addf %add3A_55, %slice3A_56 : vector<512x32xf32>
    %slice3A_58 = vector.extract_strided_slice %add3A_45 {offsets = [125, 192], sizes = [512, 32], strides = [1, 1]} : vector<640x288xf32> to vector<512x32xf32>
    %add3A_59 = arith.addf %add3A_57, %slice3A_58 : vector<512x32xf32>
    %slice3A_60 = vector.extract_strided_slice %add3A_45 {offsets = [126, 224], sizes = [512, 32], strides = [1, 1]} : vector<640x288xf32> to vector<512x32xf32>
    %add3A_61 = arith.addf %add3A_59, %slice3A_60 : vector<512x32xf32>
    %slice3A_62 = vector.extract_strided_slice %add3A_45 {offsets = [127, 256], sizes = [512, 32], strides = [1, 1]} : vector<640x288xf32> to vector<512x32xf32>
    %add3A_63 = arith.addf %add3A_61, %slice3A_62 : vector<512x32xf32>
    %get3A_64 = arith.constant 0 : index
    %get3A_65 = arith.constant 0 : index
    %get3A_66 = arith.constant 0 : index
    %get3A_67 = vector.load %arg11[%get3A_64, %get3A_65, %get3A_66] : memref<1x512x1xf32, #tpu.memory_space<vmem>>, vector<1x512x1xf32>
    %get3A_68 = vector.shape_cast %get3A_67 : vector<1x512x1xf32> to vector<512x1xf32>
    %mul3A = vector.broadcast %get3A_68 : vector<512x1xf32> to vector<512x32xf32>
    %mul3A_69 = arith.mulf %add3A_63, %mul3A : vector<512x32xf32>
    %get3A_70 = arith.constant 0 : index
    %get3A_71 = arith.constant 0 : index
    %get3A_72 = vector.load %arg10[%get3A_70, %get3A_71] : memref<1x32xf32, #tpu.memory_space<vmem>>, vector<1x32xf32>
    %get3A_73 = vector.shape_cast %get3A_72 : vector<1x32xf32> to vector<32xf32>
    %broadcast_in_dim3A_74 = vector.shape_cast %get3A_73 : vector<32xf32> to vector<1x32xf32>
    %add3A_75 = vector.broadcast %broadcast_in_dim3A_74 : vector<1x32xf32> to vector<512x32xf32>
    %add3A_76 = arith.addf %mul3A_69, %add3A_75 : vector<512x32xf32>
    %mul3A_77 = vector.broadcast %get3A_68 : vector<512x1xf32> to vector<512x32xf32>
    %mul3A_78 = arith.mulf %add3A_76, %mul3A_77 : vector<512x32xf32>
    %max3A = arith.constant 0.000000e+00 : f32
    %max3A_79 = vector.broadcast %max3A : f32 to vector<512x32xf32>
    %max3A_80 = arith.maximumf %mul3A_78, %max3A_79 : vector<512x32xf32>
    %swap3A = arith.constant 0 : index
    %swap3A_81 = arith.constant 0 : index
    %swap3A_82 = arith.constant 0 : index
    %swap3A_83 = vector.load %arg12[%swap3A, %swap3A_81, %swap3A_82] : memref<1x512x32xf32, #tpu.memory_space<vmem>>, vector<1x512x32xf32>
    %swap3A_84 = vector.shape_cast %swap3A_83 : vector<1x512x32xf32> to vector<512x32xf32>
    %swap3A_85 = vector.shape_cast %max3A_80 : vector<512x32xf32> to vector<1x512x32xf32>
    tpu.vector_store %arg12[%swap3A, %swap3A_81, %swap3A_82], %swap3A_85 {strides = array<i32>} : memref<1x512x32xf32, #tpu.memory_space<vmem>>, vector<1x512x32xf32>,
    return
  }
  func.func @transform_0(%arg0: i32, %arg1: i32) -> (i32, i32, i32) {
    %add3A = arith.constant 0 : i32
    %add3A_0 = arith.addi %arg0, %add3A : i32
    %c0_i32 = arith.constant 0 : i32
    %c0_i32_1 = arith.constant 0 : i32
    return %add3A_0, %arg1, %c0_i32 : i32, i32, i32
  }
  func.func @transform_1(%arg0: i32, %arg1: i32) -> (i32, i32, i32) {
    %add3A = arith.constant 0 : i32
    %add3A_0 = arith.addi %arg0, %add3A : i32
    %add3A_1 = arith.constant 1 : i32
    %add3A_2 = arith.addi %arg1, %add3A_1 : i32
    %c0_i32 = arith.constant 0 : i32
    %c0_i32_3 = arith.constant 0 : i32
    return %add3A_0, %add3A_2, %c0_i32 : i32, i32, i32
  }
  func.func @transform_2(%arg0: i32, %arg1: i32) -> (i32, i32, i32) {
    %add3A = arith.constant 1 : i32
    %add3A_0 = arith.addi %arg0, %add3A : i32
    %c0_i32 = arith.constant 0 : i32
    %c0_i32_1 = arith.constant 0 : i32
    return %add3A_0, %arg1, %c0_i32 : i32, i32, i32
  }
  func.func @transform_3(%arg0: i32, %arg1: i32) -> (i32, i32, i32) {
    %add3A = arith.constant 1 : i32
    %add3A_0 = arith.addi %arg0, %add3A : i32
    %add3A_1 = arith.constant 1 : i32
    %add3A_2 = arith.addi %arg1, %add3A_1 : i32
    %c0_i32 = arith.constant 0 : i32
    %c0_i32_3 = arith.constant 0 : i32
    return %add3A_0, %add3A_2, %c0_i32 : i32, i32, i32
  }
  func.func @transform_4(%arg0: i32, %arg1: i32) -> (i32, i32, i32) {
    %add3A = arith.constant 2 : i32
    %add3A_0 = arith.addi %arg0, %add3A : i32
    %c0_i32 = arith.constant 0 : i32
    %c0_i32_1 = arith.constant 0 : i32
    return %add3A_0, %arg1, %c0_i32 : i32, i32, i32
  }
  func.func @transform_5(%arg0: i32, %arg1: i32) -> (i32, i32, i32) {
    %add3A = arith.constant 2 : i32
    %add3A_0 = arith.addi %arg0, %add3A : i32
    %add3A_1 = arith.constant 1 : i32
    %add3A_2 = arith.addi %arg1, %add3A_1 : i32
    %c0_i32 = arith.constant 0 : i32
    %c0_i32_3 = arith.constant 0 : i32
    return %add3A_0, %add3A_2, %c0_i32 : i32, i32, i32
  }
  func.func @transform_6(%arg0: i32, %arg1: i32) -> (i32, i32) {
    %c0_i32 = arith.constant 0 : i32
    %c0_i32_0 = arith.constant 0 : i32
    %c0_i32_1 = arith.constant 0 : i32
    return %c0_i32, %c0_i32_0 : i32, i32
  }
  func.func @transform_7(%arg0: i32, %arg1: i32) -> (i32, i32) {
    %c0_i32 = arith.constant 0 : i32
    %c0_i32_0 = arith.constant 0 : i32
    %c0_i32_1 = arith.constant 0 : i32
    return %c0_i32, %c0_i32_0 : i32, i32
  }
  func.func @transform_8(%arg0: i32, %arg1: i32) -> (i32, i32) {
    %c0_i32 = arith.constant 0 : i32
    %c0_i32_0 = arith.constant 0 : i32
    %c0_i32_1 = arith.constant 0 : i32
    return %c0_i32, %c0_i32_0 : i32, i32
  }
  func.func @transform_9(%arg0: i32, %arg1: i32) -> (i32, i32, i32) {
    %c0_i32 = arith.constant 0 : i32
    %c0_i32_0 = arith.constant 0 : i32
    return %arg0, %arg1, %c0_i32 : i32, i32, i32
  }
  func.func @transform_10(%arg0: i32, %arg1: i32) -> (i32, i32, i32) {
    %c0_i32 = arith.constant 0 : i32
    %c0_i32_0 = arith.constant 0 : i32
    return %arg0, %arg1, %c0_i32 : i32, i32, i32
  }
}

module attributes {stable_mosaic.version = 14 : i64} {
  func.func @_sconv_body(%arg0: i32, %arg1: memref<600x864xf32, #tpu.memory_space<vmem>>, %arg2: memref<600x27xf32, #tpu.memory_space<vmem>>, %arg3: memref<864x64xbf16, #tpu.memory_space<vmem>>, %arg4: memref<864x64xbf16, #tpu.memory_space<vmem>>, %arg5: memref<1x64xf32, #tpu.memory_space<vmem>>, %arg6: memref<600x64xf32, #tpu.memory_space<vmem>>, %arg7: memref<600x1xf32, #tpu.memory_space<vmem>>) attributes {dimension_semantics = [#tpu.dimension_semantics<arbitrary>], iteration_bounds = array<i64: 8>, scalar_prefetch = 0 : i64, scratch_operands = 0 : i64, tpu.core_type = #tpu.core_type<tc>, window_params = [{transform_indices = @transform_0, window_bounds = array<i64: 600, 864>}, {transform_indices = @transform_1, window_bounds = array<i64: 600, 27>}, {pipeline_mode = #tpu.pipeline_mode<synchronous>, transform_indices = @transform_2, window_bounds = array<i64: 864, 64>}, {pipeline_mode = #tpu.pipeline_mode<synchronous>, transform_indices = @transform_3, window_bounds = array<i64: 864, 64>}, {pipeline_mode = #tpu.pipeline_mode<synchronous>, transform_indices = @transform_4, window_bounds = array<i64: 1, 64>}, {transform_indices = @transform_5, window_bounds = array<i64: 600, 64>}, {transform_indices = @transform_6, window_bounds = array<i64: 600, 1>}]} {
    %get3A = arith.constant 0 : index
    %get3A_0 = arith.constant 0 : index
    %get3A_1 = vector.load %arg1[%get3A, %get3A_0] : memref<600x864xf32, #tpu.memory_space<vmem>>, vector<600x864xf32>
    %convert_element_type3A = arith.truncf %get3A_1 : vector<600x864xf32> to vector<600x864xbf16>
    %convert_element_type3A_2 = arith.extf %convert_element_type3A : vector<600x864xbf16> to vector<600x864xf32>
    %sub3A = arith.subf %get3A_1, %convert_element_type3A_2 : vector<600x864xf32>
    %convert_element_type3A_3 = arith.truncf %sub3A : vector<600x864xf32> to vector<600x864xbf16>
    %get3A_4 = arith.constant 0 : index
    %get3A_5 = arith.constant 0 : index
    %get3A_6 = vector.load %arg3[%get3A_4, %get3A_5] : memref<864x64xbf16, #tpu.memory_space<vmem>>, vector<864x64xbf16>
    %get3A_7 = arith.constant 0 : index
    %get3A_8 = arith.constant 0 : index
    %get3A_9 = vector.load %arg4[%get3A_7, %get3A_8] : memref<864x64xbf16, #tpu.memory_space<vmem>>, vector<864x64xbf16>
    %dot_general3A = arith.constant dense<0.000000e+00> : vector<600x64xf32>
    %dot_general3A_10 = tpu.matmul %convert_element_type3A, %get3A_6, %dot_general3A {dimension_numbers = #tpu.dot_dimension_numbers<[1], [0], [0], [1], [0, 0, 1, 1], [], []>, transpose_lhs_hint = false} : vector<600x864xbf16>, vector<864x64xbf16>, vector<600x64xf32> -> vector<600x64xf32>
    %dot_general3A_11 = arith.constant dense<0.000000e+00> : vector<600x64xf32>
    %dot_general3A_12 = tpu.matmul %convert_element_type3A, %get3A_9, %dot_general3A_11 {dimension_numbers = #tpu.dot_dimension_numbers<[1], [0], [0], [1], [0, 0, 1, 1], [], []>, transpose_lhs_hint = false} : vector<600x864xbf16>, vector<864x64xbf16>, vector<600x64xf32> -> vector<600x64xf32>
    %add3A = arith.addf %dot_general3A_10, %dot_general3A_12 : vector<600x64xf32>
    %dot_general3A_13 = arith.constant dense<0.000000e+00> : vector<600x64xf32>
    %dot_general3A_14 = tpu.matmul %convert_element_type3A_3, %get3A_6, %dot_general3A_13 {dimension_numbers = #tpu.dot_dimension_numbers<[1], [0], [0], [1], [0, 0, 1, 1], [], []>, transpose_lhs_hint = false} : vector<600x864xbf16>, vector<864x64xbf16>, vector<600x64xf32> -> vector<600x64xf32>
    %add3A_15 = arith.addf %add3A, %dot_general3A_14 : vector<600x64xf32>
    %get3A_16 = arith.constant 0 : index
    %get3A_17 = arith.constant 0 : index
    %get3A_18 = vector.load %arg2[%get3A_16, %get3A_17] : memref<600x27xf32, #tpu.memory_space<vmem>>, vector<600x27xf32>
    %reduce_sum3A = arith.constant dense<0.000000e+00> : vector<600xf32>
    %reduce_sum3A_19 = vector.multi_reduction <add>, %get3A_18, %reduce_sum3A [1] : vector<600x27xf32> to vector<600xf32>
    %broadcast_in_dim3A = vector.shape_cast %reduce_sum3A_19 : vector<600xf32> to vector<600x1xf32>
    %gt3A = arith.constant 0.000000e+00 : f32
    %gt3A_20 = vector.broadcast %gt3A : f32 to vector<600x1xf32>
    %gt3A_21 = arith.cmpf ogt, %broadcast_in_dim3A, %gt3A_20 : vector<600x1xf32>
    %convert_element_type3A_22 = arith.extui %gt3A_21 : vector<600x1xi1> to vector<600x1xi32>
    %convert_element_type3A_23 = arith.sitofp %convert_element_type3A_22 : vector<600x1xi32> to vector<600x1xf32>
    %get3A_24 = arith.constant 0 : index
    %get3A_25 = arith.constant 0 : index
    %get3A_26 = vector.load %arg5[%get3A_24, %get3A_25] : memref<1x64xf32, #tpu.memory_space<vmem>>, vector<1x64xf32>
    %get3A_27 = vector.shape_cast %get3A_26 : vector<1x64xf32> to vector<64xf32>
    %broadcast_in_dim3A_28 = vector.shape_cast %get3A_27 : vector<64xf32> to vector<1x64xf32>
    %add3A_29 = vector.broadcast %broadcast_in_dim3A_28 : vector<1x64xf32> to vector<600x64xf32>
    %add3A_30 = arith.addf %add3A_15, %add3A_29 : vector<600x64xf32>
    %mul3A = vector.broadcast %convert_element_type3A_23 : vector<600x1xf32> to vector<600x64xf32>
    %mul3A_31 = arith.mulf %add3A_30, %mul3A : vector<600x64xf32>
    %max3A = arith.constant 0.000000e+00 : f32
    %max3A_32 = vector.broadcast %max3A : f32 to vector<600x64xf32>
    %max3A_33 = arith.maximumf %mul3A_31, %max3A_32 : vector<600x64xf32>
    %swap3A = arith.constant 0 : index
    %swap3A_34 = arith.constant 0 : index
    %swap3A_35 = vector.load %arg6[%swap3A, %swap3A_34] : memref<600x64xf32, #tpu.memory_space<vmem>>, vector<600x64xf32>
    tpu.vector_store %arg6[%swap3A, %swap3A_34], %max3A_33 {strides = array<i32>} : memref<600x64xf32, #tpu.memory_space<vmem>>, vector<600x64xf32>,
    %swap3A_36 = arith.constant 0 : index
    %swap3A_37 = arith.constant 0 : index
    %swap3A_38 = vector.load %arg7[%swap3A_36, %swap3A_37] : memref<600x1xf32, #tpu.memory_space<vmem>>, vector<600x1xf32>
    tpu.vector_store %arg7[%swap3A_36, %swap3A_37], %convert_element_type3A_23 {strides = array<i32>} : memref<600x1xf32, #tpu.memory_space<vmem>>, vector<600x1xf32>,
    return
  }
  func.func @transform_0(%arg0: i32) -> (i32, i32) {
    %c0_i32 = arith.constant 0 : i32
    %c0_i32_0 = arith.constant 0 : i32
    return %arg0, %c0_i32 : i32, i32
  }
  func.func @transform_1(%arg0: i32) -> (i32, i32) {
    %c0_i32 = arith.constant 0 : i32
    %c0_i32_0 = arith.constant 0 : i32
    return %arg0, %c0_i32 : i32, i32
  }
  func.func @transform_2(%arg0: i32) -> (i32, i32) {
    %c0_i32 = arith.constant 0 : i32
    %c0_i32_0 = arith.constant 0 : i32
    %c0_i32_1 = arith.constant 0 : i32
    return %c0_i32, %c0_i32_0 : i32, i32
  }
  func.func @transform_3(%arg0: i32) -> (i32, i32) {
    %c0_i32 = arith.constant 0 : i32
    %c0_i32_0 = arith.constant 0 : i32
    %c0_i32_1 = arith.constant 0 : i32
    return %c0_i32, %c0_i32_0 : i32, i32
  }
  func.func @transform_4(%arg0: i32) -> (i32, i32) {
    %c0_i32 = arith.constant 0 : i32
    %c0_i32_0 = arith.constant 0 : i32
    %c0_i32_1 = arith.constant 0 : i32
    return %c0_i32, %c0_i32_0 : i32, i32
  }
  func.func @transform_5(%arg0: i32) -> (i32, i32) {
    %c0_i32 = arith.constant 0 : i32
    %c0_i32_0 = arith.constant 0 : i32
    return %arg0, %c0_i32 : i32, i32
  }
  func.func @transform_6(%arg0: i32) -> (i32, i32) {
    %c0_i32 = arith.constant 0 : i32
    %c0_i32_0 = arith.constant 0 : i32
    return %arg0, %c0_i32 : i32, i32
  }
}

module attributes {stable_mosaic.version = 14 : i64} {
  func.func @_subm_body(%arg0: i32, %arg1: i32, %arg2: memref<1x488x64xf32, #tpu.memory_space<vmem>>, %arg3: memref<1x488x64xf32, #tpu.memory_space<vmem>>, %arg4: memref<1x488x64xf32, #tpu.memory_space<vmem>>, %arg5: memref<1x488x64xf32, #tpu.memory_space<vmem>>, %arg6: memref<1x488x64xf32, #tpu.memory_space<vmem>>, %arg7: memref<1x488x64xf32, #tpu.memory_space<vmem>>, %arg8: memref<192x576xbf16, #tpu.memory_space<vmem>>, %arg9: memref<192x576xbf16, #tpu.memory_space<vmem>>, %arg10: memref<1x64xf32, #tpu.memory_space<vmem>>, %arg11: memref<1x488x1xf32, #tpu.memory_space<vmem>>, %arg12: memref<1x488x64xf32, #tpu.memory_space<vmem>>) attributes {dimension_semantics = [#tpu.dimension_semantics<arbitrary>, #tpu.dimension_semantics<arbitrary>], iteration_bounds = array<i64: 11, 1>, scalar_prefetch = 0 : i64, scratch_operands = 0 : i64, tpu.core_type = #tpu.core_type<tc>, window_params = [{transform_indices = @transform_0, window_bounds = array<i64: 1, 488, 64>}, {transform_indices = @transform_1, window_bounds = array<i64: 1, 488, 64>}, {transform_indices = @transform_2, window_bounds = array<i64: 1, 488, 64>}, {transform_indices = @transform_3, window_bounds = array<i64: 1, 488, 64>}, {transform_indices = @transform_4, window_bounds = array<i64: 1, 488, 64>}, {transform_indices = @transform_5, window_bounds = array<i64: 1, 488, 64>}, {pipeline_mode = #tpu.pipeline_mode<synchronous>, transform_indices = @transform_6, window_bounds = array<i64: 192, 576>}, {pipeline_mode = #tpu.pipeline_mode<synchronous>, transform_indices = @transform_7, window_bounds = array<i64: 192, 576>}, {pipeline_mode = #tpu.pipeline_mode<synchronous>, transform_indices = @transform_8, window_bounds = array<i64: 1, 64>}, {transform_indices = @transform_9, window_bounds = array<i64: 1, 488, 1>}, {transform_indices = @transform_10, window_bounds = array<i64: 1, 488, 64>}]} {
    %get3A = arith.constant 0 : index
    %get3A_0 = arith.constant 0 : index
    %get3A_1 = arith.constant 0 : index
    %get3A_2 = vector.load %arg2[%get3A, %get3A_0, %get3A_1] : memref<1x488x64xf32, #tpu.memory_space<vmem>>, vector<1x488x64xf32>
    %get3A_3 = vector.shape_cast %get3A_2 : vector<1x488x64xf32> to vector<488x64xf32>
    %get3A_4 = arith.constant 0 : index
    %get3A_5 = arith.constant 0 : index
    %get3A_6 = arith.constant 0 : index
    %get3A_7 = vector.load %arg3[%get3A_4, %get3A_5, %get3A_6] : memref<1x488x64xf32, #tpu.memory_space<vmem>>, vector<1x72x64xf32>
    %get3A_8 = vector.shape_cast %get3A_7 : vector<1x72x64xf32> to vector<72x64xf32>
    %concatenate3A = tpu.concatenate %get3A_3, %get3A_8 in 0 : vector<488x64xf32>, vector<72x64xf32> -> vector<560x64xf32>
    %get3A_9 = arith.constant 0 : index
    %get3A_10 = arith.constant 0 : index
    %get3A_11 = arith.constant 0 : index
    %get3A_12 = vector.load %arg4[%get3A_9, %get3A_10, %get3A_11] : memref<1x488x64xf32, #tpu.memory_space<vmem>>, vector<1x488x64xf32>
    %get3A_13 = vector.shape_cast %get3A_12 : vector<1x488x64xf32> to vector<488x64xf32>
    %get3A_14 = arith.constant 0 : index
    %get3A_15 = arith.constant 0 : index
    %get3A_16 = arith.constant 0 : index
    %get3A_17 = vector.load %arg5[%get3A_14, %get3A_15, %get3A_16] : memref<1x488x64xf32, #tpu.memory_space<vmem>>, vector<1x72x64xf32>
    %get3A_18 = vector.shape_cast %get3A_17 : vector<1x72x64xf32> to vector<72x64xf32>
    %concatenate3A_19 = tpu.concatenate %get3A_13, %get3A_18 in 0 : vector<488x64xf32>, vector<72x64xf32> -> vector<560x64xf32>
    %get3A_20 = arith.constant 0 : index
    %get3A_21 = arith.constant 0 : index
    %get3A_22 = arith.constant 0 : index
    %get3A_23 = vector.load %arg6[%get3A_20, %get3A_21, %get3A_22] : memref<1x488x64xf32, #tpu.memory_space<vmem>>, vector<1x488x64xf32>
    %get3A_24 = vector.shape_cast %get3A_23 : vector<1x488x64xf32> to vector<488x64xf32>
    %get3A_25 = arith.constant 0 : index
    %get3A_26 = arith.constant 0 : index
    %get3A_27 = arith.constant 0 : index
    %get3A_28 = vector.load %arg7[%get3A_25, %get3A_26, %get3A_27] : memref<1x488x64xf32, #tpu.memory_space<vmem>>, vector<1x72x64xf32>
    %get3A_29 = vector.shape_cast %get3A_28 : vector<1x72x64xf32> to vector<72x64xf32>
    %concatenate3A_30 = tpu.concatenate %get3A_24, %get3A_29 in 0 : vector<488x64xf32>, vector<72x64xf32> -> vector<560x64xf32>
    %concatenate3A_31 = tpu.concatenate %concatenate3A, %concatenate3A_19, %concatenate3A_30 in 1 : vector<560x64xf32>, vector<560x64xf32>, vector<560x64xf32> -> vector<560x192xf32>
    %convert_element_type3A = arith.truncf %concatenate3A_31 : vector<560x192xf32> to vector<560x192xbf16>
    %convert_element_type3A_32 = arith.extf %convert_element_type3A : vector<560x192xbf16> to vector<560x192xf32>
    %sub3A = arith.subf %concatenate3A_31, %convert_element_type3A_32 : vector<560x192xf32>
    %convert_element_type3A_33 = arith.truncf %sub3A : vector<560x192xf32> to vector<560x192xbf16>
    %get3A_34 = arith.constant 0 : index
    %get3A_35 = arith.constant 0 : index
    %get3A_36 = vector.load %arg8[%get3A_34, %get3A_35] : memref<192x576xbf16, #tpu.memory_space<vmem>>, vector<192x576xbf16>
    %get3A_37 = arith.constant 0 : index
    %get3A_38 = arith.constant 0 : index
    %get3A_39 = vector.load %arg9[%get3A_37, %get3A_38] : memref<192x576xbf16, #tpu.memory_space<vmem>>, vector<192x576xbf16>
    %dot_general3A = arith.constant dense<0.000000e+00> : vector<560x576xf32>
    %dot_general3A_40 = tpu.matmul %convert_element_type3A, %get3A_36, %dot_general3A {dimension_numbers = #tpu.dot_dimension_numbers<[1], [0], [0], [1], [0, 0, 1, 1], [], []>, transpose_lhs_hint = false} : vector<560x192xbf16>, vector<192x576xbf16>, vector<560x576xf32> -> vector<560x576xf32>
    %dot_general3A_41 = arith.constant dense<0.000000e+00> : vector<560x576xf32>
    %dot_general3A_42 = tpu.matmul %convert_element_type3A, %get3A_39, %dot_general3A_41 {dimension_numbers = #tpu.dot_dimension_numbers<[1], [0], [0], [1], [0, 0, 1, 1], [], []>, transpose_lhs_hint = false} : vector<560x192xbf16>, vector<192x576xbf16>, vector<560x576xf32> -> vector<560x576xf32>
    %add3A = arith.addf %dot_general3A_40, %dot_general3A_42 : vector<560x576xf32>
    %dot_general3A_43 = arith.constant dense<0.000000e+00> : vector<560x576xf32>
    %dot_general3A_44 = tpu.matmul %convert_element_type3A_33, %get3A_36, %dot_general3A_43 {dimension_numbers = #tpu.dot_dimension_numbers<[1], [0], [0], [1], [0, 0, 1, 1], [], []>, transpose_lhs_hint = false} : vector<560x192xbf16>, vector<192x576xbf16>, vector<560x576xf32> -> vector<560x576xf32>
    %add3A_45 = arith.addf %add3A, %dot_general3A_44 : vector<560x576xf32>
    %broadcast_in_dim3A = arith.constant 0.000000e+00 : f32
    %broadcast_in_dim3A_46 = vector.broadcast %broadcast_in_dim3A : f32 to vector<488x64xf32>
    %slice3A = vector.extract_strided_slice %add3A_45 {offsets = [21, 0], sizes = [488, 64], strides = [1, 1]} : vector<560x576xf32> to vector<488x64xf32>
    %add3A_47 = arith.addf %broadcast_in_dim3A_46, %slice3A : vector<488x64xf32>
    %slice3A_48 = vector.extract_strided_slice %add3A_45 {offsets = [22, 64], sizes = [488, 64], strides = [1, 1]} : vector<560x576xf32> to vector<488x64xf32>
    %add3A_49 = arith.addf %add3A_47, %slice3A_48 : vector<488x64xf32>
    %slice3A_50 = vector.extract_strided_slice %add3A_45 {offsets = [23, 128], sizes = [488, 64], strides = [1, 1]} : vector<560x576xf32> to vector<488x64xf32>
    %add3A_51 = arith.addf %add3A_49, %slice3A_50 : vector<488x64xf32>
    %slice3A_52 = vector.extract_strided_slice %add3A_45 {offsets = [43, 192], sizes = [488, 64], strides = [1, 1]} : vector<560x576xf32> to vector<488x64xf32>
    %add3A_53 = arith.addf %add3A_51, %slice3A_52 : vector<488x64xf32>
    %slice3A_54 = vector.extract_strided_slice %add3A_45 {offsets = [44, 256], sizes = [488, 64], strides = [1, 1]} : vector<560x576xf32> to vector<488x64xf32>
    %add3A_55 = arith.addf %add3A_53, %slice3A_54 : vector<488x64xf32>
    %slice3A_56 = vector.extract_strided_slice %add3A_45 {offsets = [45, 320], sizes = [488, 64], strides = [1, 1]} : vector<560x576xf32> to vector<488x64xf32>
    %add3A_57 = arith.addf %add3A_55, %slice3A_56 : vector<488x64xf32>
    %slice3A_58 = vector.extract_strided_slice %add3A_45 {offsets = [65, 384], sizes = [488, 64], strides = [1, 1]} : vector<560x576xf32> to vector<488x64xf32>
    %add3A_59 = arith.addf %add3A_57, %slice3A_58 : vector<488x64xf32>
    %slice3A_60 = vector.extract_strided_slice %add3A_45 {offsets = [66, 448], sizes = [488, 64], strides = [1, 1]} : vector<560x576xf32> to vector<488x64xf32>
    %add3A_61 = arith.addf %add3A_59, %slice3A_60 : vector<488x64xf32>
    %slice3A_62 = vector.extract_strided_slice %add3A_45 {offsets = [67, 512], sizes = [488, 64], strides = [1, 1]} : vector<560x576xf32> to vector<488x64xf32>
    %add3A_63 = arith.addf %add3A_61, %slice3A_62 : vector<488x64xf32>
    %get3A_64 = arith.constant 0 : index
    %get3A_65 = arith.constant 0 : index
    %get3A_66 = arith.constant 0 : index
    %get3A_67 = vector.load %arg11[%get3A_64, %get3A_65, %get3A_66] : memref<1x488x1xf32, #tpu.memory_space<vmem>>, vector<1x488x1xf32>
    %get3A_68 = vector.shape_cast %get3A_67 : vector<1x488x1xf32> to vector<488x1xf32>
    %mul3A = vector.broadcast %get3A_68 : vector<488x1xf32> to vector<488x64xf32>
    %mul3A_69 = arith.mulf %add3A_63, %mul3A : vector<488x64xf32>
    %get3A_70 = arith.constant 0 : index
    %get3A_71 = arith.constant 0 : index
    %get3A_72 = vector.load %arg10[%get3A_70, %get3A_71] : memref<1x64xf32, #tpu.memory_space<vmem>>, vector<1x64xf32>
    %get3A_73 = vector.shape_cast %get3A_72 : vector<1x64xf32> to vector<64xf32>
    %broadcast_in_dim3A_74 = vector.shape_cast %get3A_73 : vector<64xf32> to vector<1x64xf32>
    %add3A_75 = vector.broadcast %broadcast_in_dim3A_74 : vector<1x64xf32> to vector<488x64xf32>
    %add3A_76 = arith.addf %mul3A_69, %add3A_75 : vector<488x64xf32>
    %mul3A_77 = vector.broadcast %get3A_68 : vector<488x1xf32> to vector<488x64xf32>
    %mul3A_78 = arith.mulf %add3A_76, %mul3A_77 : vector<488x64xf32>
    %max3A = arith.constant 0.000000e+00 : f32
    %max3A_79 = vector.broadcast %max3A : f32 to vector<488x64xf32>
    %max3A_80 = arith.maximumf %mul3A_78, %max3A_79 : vector<488x64xf32>
    %swap3A = arith.constant 0 : index
    %swap3A_81 = arith.constant 0 : index
    %swap3A_82 = arith.constant 0 : index
    %swap3A_83 = vector.load %arg12[%swap3A, %swap3A_81, %swap3A_82] : memref<1x488x64xf32, #tpu.memory_space<vmem>>, vector<1x488x64xf32>
    %swap3A_84 = vector.shape_cast %swap3A_83 : vector<1x488x64xf32> to vector<488x64xf32>
    %swap3A_85 = vector.shape_cast %max3A_80 : vector<488x64xf32> to vector<1x488x64xf32>
    tpu.vector_store %arg12[%swap3A, %swap3A_81, %swap3A_82], %swap3A_85 {strides = array<i32>} : memref<1x488x64xf32, #tpu.memory_space<vmem>>, vector<1x488x64xf32>,
    return
  }
  func.func @transform_0(%arg0: i32, %arg1: i32) -> (i32, i32, i32) {
    %add3A = arith.constant 0 : i32
    %add3A_0 = arith.addi %arg0, %add3A : i32
    %c0_i32 = arith.constant 0 : i32
    %c0_i32_1 = arith.constant 0 : i32
    return %add3A_0, %arg1, %c0_i32 : i32, i32, i32
  }
  func.func @transform_1(%arg0: i32, %arg1: i32) -> (i32, i32, i32) {
    %add3A = arith.constant 0 : i32
    %add3A_0 = arith.addi %arg0, %add3A : i32
    %add3A_1 = arith.constant 1 : i32
    %add3A_2 = arith.addi %arg1, %add3A_1 : i32
    %c0_i32 = arith.constant 0 : i32
    %c0_i32_3 = arith.constant 0 : i32
    return %add3A_0, %add3A_2, %c0_i32 : i32, i32, i32
  }
  func.func @transform_2(%arg0: i32, %arg1: i32) -> (i32, i32, i32) {
    %add3A = arith.constant 1 : i32
    %add3A_0 = arith.addi %arg0, %add3A : i32
    %c0_i32 = arith.constant 0 : i32
    %c0_i32_1 = arith.constant 0 : i32
    return %add3A_0, %arg1, %c0_i32 : i32, i32, i32
  }
  func.func @transform_3(%arg0: i32, %arg1: i32) -> (i32, i32, i32) {
    %add3A = arith.constant 1 : i32
    %add3A_0 = arith.addi %arg0, %add3A : i32
    %add3A_1 = arith.constant 1 : i32
    %add3A_2 = arith.addi %arg1, %add3A_1 : i32
    %c0_i32 = arith.constant 0 : i32
    %c0_i32_3 = arith.constant 0 : i32
    return %add3A_0, %add3A_2, %c0_i32 : i32, i32, i32
  }
  func.func @transform_4(%arg0: i32, %arg1: i32) -> (i32, i32, i32) {
    %add3A = arith.constant 2 : i32
    %add3A_0 = arith.addi %arg0, %add3A : i32
    %c0_i32 = arith.constant 0 : i32
    %c0_i32_1 = arith.constant 0 : i32
    return %add3A_0, %arg1, %c0_i32 : i32, i32, i32
  }
  func.func @transform_5(%arg0: i32, %arg1: i32) -> (i32, i32, i32) {
    %add3A = arith.constant 2 : i32
    %add3A_0 = arith.addi %arg0, %add3A : i32
    %add3A_1 = arith.constant 1 : i32
    %add3A_2 = arith.addi %arg1, %add3A_1 : i32
    %c0_i32 = arith.constant 0 : i32
    %c0_i32_3 = arith.constant 0 : i32
    return %add3A_0, %add3A_2, %c0_i32 : i32, i32, i32
  }
  func.func @transform_6(%arg0: i32, %arg1: i32) -> (i32, i32) {
    %c0_i32 = arith.constant 0 : i32
    %c0_i32_0 = arith.constant 0 : i32
    %c0_i32_1 = arith.constant 0 : i32
    return %c0_i32, %c0_i32_0 : i32, i32
  }
  func.func @transform_7(%arg0: i32, %arg1: i32) -> (i32, i32) {
    %c0_i32 = arith.constant 0 : i32
    %c0_i32_0 = arith.constant 0 : i32
    %c0_i32_1 = arith.constant 0 : i32
    return %c0_i32, %c0_i32_0 : i32, i32
  }
  func.func @transform_8(%arg0: i32, %arg1: i32) -> (i32, i32) {
    %c0_i32 = arith.constant 0 : i32
    %c0_i32_0 = arith.constant 0 : i32
    %c0_i32_1 = arith.constant 0 : i32
    return %c0_i32, %c0_i32_0 : i32, i32
  }
  func.func @transform_9(%arg0: i32, %arg1: i32) -> (i32, i32, i32) {
    %c0_i32 = arith.constant 0 : i32
    %c0_i32_0 = arith.constant 0 : i32
    return %arg0, %arg1, %c0_i32 : i32, i32, i32
  }
  func.func @transform_10(%arg0: i32, %arg1: i32) -> (i32, i32, i32) {
    %c0_i32 = arith.constant 0 : i32
    %c0_i32_0 = arith.constant 0 : i32
    return %arg0, %arg1, %c0_i32 : i32, i32, i32
  }
}

module attributes {stable_mosaic.version = 14 : i64} {
  func.func @_sconv_body(%arg0: i32, %arg1: memref<296x1728xf32, #tpu.memory_space<vmem>>, %arg2: memref<296x27xf32, #tpu.memory_space<vmem>>, %arg3: memref<1728x64xbf16, #tpu.memory_space<vmem>>, %arg4: memref<1728x64xbf16, #tpu.memory_space<vmem>>, %arg5: memref<1x64xf32, #tpu.memory_space<vmem>>, %arg6: memref<296x64xf32, #tpu.memory_space<vmem>>, %arg7: memref<296x1xf32, #tpu.memory_space<vmem>>) attributes {dimension_semantics = [#tpu.dimension_semantics<arbitrary>], iteration_bounds = array<i64: 2>, scalar_prefetch = 0 : i64, scratch_operands = 0 : i64, tpu.core_type = #tpu.core_type<tc>, window_params = [{transform_indices = @transform_0, window_bounds = array<i64: 296, 1728>}, {transform_indices = @transform_1, window_bounds = array<i64: 296, 27>}, {pipeline_mode = #tpu.pipeline_mode<synchronous>, transform_indices = @transform_2, window_bounds = array<i64: 1728, 64>}, {pipeline_mode = #tpu.pipeline_mode<synchronous>, transform_indices = @transform_3, window_bounds = array<i64: 1728, 64>}, {pipeline_mode = #tpu.pipeline_mode<synchronous>, transform_indices = @transform_4, window_bounds = array<i64: 1, 64>}, {transform_indices = @transform_5, window_bounds = array<i64: 296, 64>}, {transform_indices = @transform_6, window_bounds = array<i64: 296, 1>}]} {
    %get3A = arith.constant 0 : index
    %get3A_0 = arith.constant 0 : index
    %get3A_1 = vector.load %arg1[%get3A, %get3A_0] : memref<296x1728xf32, #tpu.memory_space<vmem>>, vector<296x1728xf32>
    %convert_element_type3A = arith.truncf %get3A_1 : vector<296x1728xf32> to vector<296x1728xbf16>
    %convert_element_type3A_2 = arith.extf %convert_element_type3A : vector<296x1728xbf16> to vector<296x1728xf32>
    %sub3A = arith.subf %get3A_1, %convert_element_type3A_2 : vector<296x1728xf32>
    %convert_element_type3A_3 = arith.truncf %sub3A : vector<296x1728xf32> to vector<296x1728xbf16>
    %get3A_4 = arith.constant 0 : index
    %get3A_5 = arith.constant 0 : index
    %get3A_6 = vector.load %arg3[%get3A_4, %get3A_5] : memref<1728x64xbf16, #tpu.memory_space<vmem>>, vector<1728x64xbf16>
    %get3A_7 = arith.constant 0 : index
    %get3A_8 = arith.constant 0 : index
    %get3A_9 = vector.load %arg4[%get3A_7, %get3A_8] : memref<1728x64xbf16, #tpu.memory_space<vmem>>, vector<1728x64xbf16>
    %dot_general3A = arith.constant dense<0.000000e+00> : vector<296x64xf32>
    %dot_general3A_10 = tpu.matmul %convert_element_type3A, %get3A_6, %dot_general3A {dimension_numbers = #tpu.dot_dimension_numbers<[1], [0], [0], [1], [0, 0, 1, 1], [], []>, transpose_lhs_hint = false} : vector<296x1728xbf16>, vector<1728x64xbf16>, vector<296x64xf32> -> vector<296x64xf32>
    %dot_general3A_11 = arith.constant dense<0.000000e+00> : vector<296x64xf32>
    %dot_general3A_12 = tpu.matmul %convert_element_type3A, %get3A_9, %dot_general3A_11 {dimension_numbers = #tpu.dot_dimension_numbers<[1], [0], [0], [1], [0, 0, 1, 1], [], []>, transpose_lhs_hint = false} : vector<296x1728xbf16>, vector<1728x64xbf16>, vector<296x64xf32> -> vector<296x64xf32>
    %add3A = arith.addf %dot_general3A_10, %dot_general3A_12 : vector<296x64xf32>
    %dot_general3A_13 = arith.constant dense<0.000000e+00> : vector<296x64xf32>
    %dot_general3A_14 = tpu.matmul %convert_element_type3A_3, %get3A_6, %dot_general3A_13 {dimension_numbers = #tpu.dot_dimension_numbers<[1], [0], [0], [1], [0, 0, 1, 1], [], []>, transpose_lhs_hint = false} : vector<296x1728xbf16>, vector<1728x64xbf16>, vector<296x64xf32> -> vector<296x64xf32>
    %add3A_15 = arith.addf %add3A, %dot_general3A_14 : vector<296x64xf32>
    %get3A_16 = arith.constant 0 : index
    %get3A_17 = arith.constant 0 : index
    %get3A_18 = vector.load %arg2[%get3A_16, %get3A_17] : memref<296x27xf32, #tpu.memory_space<vmem>>, vector<296x27xf32>
    %reduce_sum3A = arith.constant dense<0.000000e+00> : vector<296xf32>
    %reduce_sum3A_19 = vector.multi_reduction <add>, %get3A_18, %reduce_sum3A [1] : vector<296x27xf32> to vector<296xf32>
    %broadcast_in_dim3A = vector.shape_cast %reduce_sum3A_19 : vector<296xf32> to vector<296x1xf32>
    %gt3A = arith.constant 0.000000e+00 : f32
    %gt3A_20 = vector.broadcast %gt3A : f32 to vector<296x1xf32>
    %gt3A_21 = arith.cmpf ogt, %broadcast_in_dim3A, %gt3A_20 : vector<296x1xf32>
    %convert_element_type3A_22 = arith.extui %gt3A_21 : vector<296x1xi1> to vector<296x1xi32>
    %convert_element_type3A_23 = arith.sitofp %convert_element_type3A_22 : vector<296x1xi32> to vector<296x1xf32>
    %get3A_24 = arith.constant 0 : index
    %get3A_25 = arith.constant 0 : index
    %get3A_26 = vector.load %arg5[%get3A_24, %get3A_25] : memref<1x64xf32, #tpu.memory_space<vmem>>, vector<1x64xf32>
    %get3A_27 = vector.shape_cast %get3A_26 : vector<1x64xf32> to vector<64xf32>
    %broadcast_in_dim3A_28 = vector.shape_cast %get3A_27 : vector<64xf32> to vector<1x64xf32>
    %add3A_29 = vector.broadcast %broadcast_in_dim3A_28 : vector<1x64xf32> to vector<296x64xf32>
    %add3A_30 = arith.addf %add3A_15, %add3A_29 : vector<296x64xf32>
    %mul3A = vector.broadcast %convert_element_type3A_23 : vector<296x1xf32> to vector<296x64xf32>
    %mul3A_31 = arith.mulf %add3A_30, %mul3A : vector<296x64xf32>
    %max3A = arith.constant 0.000000e+00 : f32
    %max3A_32 = vector.broadcast %max3A : f32 to vector<296x64xf32>
    %max3A_33 = arith.maximumf %mul3A_31, %max3A_32 : vector<296x64xf32>
    %swap3A = arith.constant 0 : index
    %swap3A_34 = arith.constant 0 : index
    %swap3A_35 = vector.load %arg6[%swap3A, %swap3A_34] : memref<296x64xf32, #tpu.memory_space<vmem>>, vector<296x64xf32>
    tpu.vector_store %arg6[%swap3A, %swap3A_34], %max3A_33 {strides = array<i32>} : memref<296x64xf32, #tpu.memory_space<vmem>>, vector<296x64xf32>,
    %swap3A_36 = arith.constant 0 : index
    %swap3A_37 = arith.constant 0 : index
    %swap3A_38 = vector.load %arg7[%swap3A_36, %swap3A_37] : memref<296x1xf32, #tpu.memory_space<vmem>>, vector<296x1xf32>
    tpu.vector_store %arg7[%swap3A_36, %swap3A_37], %convert_element_type3A_23 {strides = array<i32>} : memref<296x1xf32, #tpu.memory_space<vmem>>, vector<296x1xf32>,
    return
  }
  func.func @transform_0(%arg0: i32) -> (i32, i32) {
    %c0_i32 = arith.constant 0 : i32
    %c0_i32_0 = arith.constant 0 : i32
    return %arg0, %c0_i32 : i32, i32
  }
  func.func @transform_1(%arg0: i32) -> (i32, i32) {
    %c0_i32 = arith.constant 0 : i32
    %c0_i32_0 = arith.constant 0 : i32
    return %arg0, %c0_i32 : i32, i32
  }
  func.func @transform_2(%arg0: i32) -> (i32, i32) {
    %c0_i32 = arith.constant 0 : i32
    %c0_i32_0 = arith.constant 0 : i32
    %c0_i32_1 = arith.constant 0 : i32
    return %c0_i32, %c0_i32_0 : i32, i32
  }
  func.func @transform_3(%arg0: i32) -> (i32, i32) {
    %c0_i32 = arith.constant 0 : i32
    %c0_i32_0 = arith.constant 0 : i32
    %c0_i32_1 = arith.constant 0 : i32
    return %c0_i32, %c0_i32_0 : i32, i32
  }
  func.func @transform_4(%arg0: i32) -> (i32, i32) {
    %c0_i32 = arith.constant 0 : i32
    %c0_i32_0 = arith.constant 0 : i32
    %c0_i32_1 = arith.constant 0 : i32
    return %c0_i32, %c0_i32_0 : i32, i32
  }
  func.func @transform_5(%arg0: i32) -> (i32, i32) {
    %c0_i32 = arith.constant 0 : i32
    %c0_i32_0 = arith.constant 0 : i32
    return %arg0, %c0_i32 : i32, i32
  }
  func.func @transform_6(%arg0: i32) -> (i32, i32) {
    %c0_i32 = arith.constant 0 : i32
    %c0_i32_0 = arith.constant 0 : i32
    return %arg0, %c0_i32 : i32, i32
  }
}

module attributes {stable_mosaic.version = 14 : i64} {
  func.func @_subm_body(%arg0: i32, %arg1: i32, %arg2: memref<1x144x64xf32, #tpu.memory_space<vmem>>, %arg3: memref<1x144x64xf32, #tpu.memory_space<vmem>>, %arg4: memref<1x144x64xf32, #tpu.memory_space<vmem>>, %arg5: memref<1x144x64xf32, #tpu.memory_space<vmem>>, %arg6: memref<1x144x64xf32, #tpu.memory_space<vmem>>, %arg7: memref<1x144x64xf32, #tpu.memory_space<vmem>>, %arg8: memref<192x576xbf16, #tpu.memory_space<vmem>>, %arg9: memref<192x576xbf16, #tpu.memory_space<vmem>>, %arg10: memref<1x64xf32, #tpu.memory_space<vmem>>, %arg11: memref<1x144x1xf32, #tpu.memory_space<vmem>>, %arg12: memref<1x144x64xf32, #tpu.memory_space<vmem>>) attributes {dimension_semantics = [#tpu.dimension_semantics<arbitrary>, #tpu.dimension_semantics<arbitrary>], iteration_bounds = array<i64: 5, 1>, scalar_prefetch = 0 : i64, scratch_operands = 0 : i64, tpu.core_type = #tpu.core_type<tc>, window_params = [{transform_indices = @transform_0, window_bounds = array<i64: 1, 144, 64>}, {transform_indices = @transform_1, window_bounds = array<i64: 1, 144, 64>}, {transform_indices = @transform_2, window_bounds = array<i64: 1, 144, 64>}, {transform_indices = @transform_3, window_bounds = array<i64: 1, 144, 64>}, {transform_indices = @transform_4, window_bounds = array<i64: 1, 144, 64>}, {transform_indices = @transform_5, window_bounds = array<i64: 1, 144, 64>}, {pipeline_mode = #tpu.pipeline_mode<synchronous>, transform_indices = @transform_6, window_bounds = array<i64: 192, 576>}, {pipeline_mode = #tpu.pipeline_mode<synchronous>, transform_indices = @transform_7, window_bounds = array<i64: 192, 576>}, {pipeline_mode = #tpu.pipeline_mode<synchronous>, transform_indices = @transform_8, window_bounds = array<i64: 1, 64>}, {transform_indices = @transform_9, window_bounds = array<i64: 1, 144, 1>}, {transform_indices = @transform_10, window_bounds = array<i64: 1, 144, 64>}]} {
    %get3A = arith.constant 0 : index
    %get3A_0 = arith.constant 0 : index
    %get3A_1 = arith.constant 0 : index
    %get3A_2 = vector.load %arg2[%get3A, %get3A_0, %get3A_1] : memref<1x144x64xf32, #tpu.memory_space<vmem>>, vector<1x144x64xf32>
    %get3A_3 = vector.shape_cast %get3A_2 : vector<1x144x64xf32> to vector<144x64xf32>
    %get3A_4 = arith.constant 0 : index
    %get3A_5 = arith.constant 0 : index
    %get3A_6 = arith.constant 0 : index
    %get3A_7 = vector.load %arg3[%get3A_4, %get3A_5, %get3A_6] : memref<1x144x64xf32, #tpu.memory_space<vmem>>, vector<1x40x64xf32>
    %get3A_8 = vector.shape_cast %get3A_7 : vector<1x40x64xf32> to vector<40x64xf32>
    %concatenate3A = tpu.concatenate %get3A_3, %get3A_8 in 0 : vector<144x64xf32>, vector<40x64xf32> -> vector<184x64xf32>
    %get3A_9 = arith.constant 0 : index
    %get3A_10 = arith.constant 0 : index
    %get3A_11 = arith.constant 0 : index
    %get3A_12 = vector.load %arg4[%get3A_9, %get3A_10, %get3A_11] : memref<1x144x64xf32, #tpu.memory_space<vmem>>, vector<1x144x64xf32>
    %get3A_13 = vector.shape_cast %get3A_12 : vector<1x144x64xf32> to vector<144x64xf32>
    %get3A_14 = arith.constant 0 : index
    %get3A_15 = arith.constant 0 : index
    %get3A_16 = arith.constant 0 : index
    %get3A_17 = vector.load %arg5[%get3A_14, %get3A_15, %get3A_16] : memref<1x144x64xf32, #tpu.memory_space<vmem>>, vector<1x40x64xf32>
    %get3A_18 = vector.shape_cast %get3A_17 : vector<1x40x64xf32> to vector<40x64xf32>
    %concatenate3A_19 = tpu.concatenate %get3A_13, %get3A_18 in 0 : vector<144x64xf32>, vector<40x64xf32> -> vector<184x64xf32>
    %get3A_20 = arith.constant 0 : index
    %get3A_21 = arith.constant 0 : index
    %get3A_22 = arith.constant 0 : index
    %get3A_23 = vector.load %arg6[%get3A_20, %get3A_21, %get3A_22] : memref<1x144x64xf32, #tpu.memory_space<vmem>>, vector<1x144x64xf32>
    %get3A_24 = vector.shape_cast %get3A_23 : vector<1x144x64xf32> to vector<144x64xf32>
    %get3A_25 = arith.constant 0 : index
    %get3A_26 = arith.constant 0 : index
    %get3A_27 = arith.constant 0 : index
    %get3A_28 = vector.load %arg7[%get3A_25, %get3A_26, %get3A_27] : memref<1x144x64xf32, #tpu.memory_space<vmem>>, vector<1x40x64xf32>
    %get3A_29 = vector.shape_cast %get3A_28 : vector<1x40x64xf32> to vector<40x64xf32>
    %concatenate3A_30 = tpu.concatenate %get3A_24, %get3A_29 in 0 : vector<144x64xf32>, vector<40x64xf32> -> vector<184x64xf32>
    %concatenate3A_31 = tpu.concatenate %concatenate3A, %concatenate3A_19, %concatenate3A_30 in 1 : vector<184x64xf32>, vector<184x64xf32>, vector<184x64xf32> -> vector<184x192xf32>
    %convert_element_type3A = arith.truncf %concatenate3A_31 : vector<184x192xf32> to vector<184x192xbf16>
    %convert_element_type3A_32 = arith.extf %convert_element_type3A : vector<184x192xbf16> to vector<184x192xf32>
    %sub3A = arith.subf %concatenate3A_31, %convert_element_type3A_32 : vector<184x192xf32>
    %convert_element_type3A_33 = arith.truncf %sub3A : vector<184x192xf32> to vector<184x192xbf16>
    %get3A_34 = arith.constant 0 : index
    %get3A_35 = arith.constant 0 : index
    %get3A_36 = vector.load %arg8[%get3A_34, %get3A_35] : memref<192x576xbf16, #tpu.memory_space<vmem>>, vector<192x576xbf16>
    %get3A_37 = arith.constant 0 : index
    %get3A_38 = arith.constant 0 : index
    %get3A_39 = vector.load %arg9[%get3A_37, %get3A_38] : memref<192x576xbf16, #tpu.memory_space<vmem>>, vector<192x576xbf16>
    %dot_general3A = arith.constant dense<0.000000e+00> : vector<184x576xf32>
    %dot_general3A_40 = tpu.matmul %convert_element_type3A, %get3A_36, %dot_general3A {dimension_numbers = #tpu.dot_dimension_numbers<[1], [0], [0], [1], [0, 0, 1, 1], [], []>, transpose_lhs_hint = false} : vector<184x192xbf16>, vector<192x576xbf16>, vector<184x576xf32> -> vector<184x576xf32>
    %dot_general3A_41 = arith.constant dense<0.000000e+00> : vector<184x576xf32>
    %dot_general3A_42 = tpu.matmul %convert_element_type3A, %get3A_39, %dot_general3A_41 {dimension_numbers = #tpu.dot_dimension_numbers<[1], [0], [0], [1], [0, 0, 1, 1], [], []>, transpose_lhs_hint = false} : vector<184x192xbf16>, vector<192x576xbf16>, vector<184x576xf32> -> vector<184x576xf32>
    %add3A = arith.addf %dot_general3A_40, %dot_general3A_42 : vector<184x576xf32>
    %dot_general3A_43 = arith.constant dense<0.000000e+00> : vector<184x576xf32>
    %dot_general3A_44 = tpu.matmul %convert_element_type3A_33, %get3A_36, %dot_general3A_43 {dimension_numbers = #tpu.dot_dimension_numbers<[1], [0], [0], [1], [0, 0, 1, 1], [], []>, transpose_lhs_hint = false} : vector<184x192xbf16>, vector<192x576xbf16>, vector<184x576xf32> -> vector<184x576xf32>
    %add3A_45 = arith.addf %add3A, %dot_general3A_44 : vector<184x576xf32>
    %broadcast_in_dim3A = arith.constant 0.000000e+00 : f32
    %broadcast_in_dim3A_46 = vector.broadcast %broadcast_in_dim3A : f32 to vector<144x64xf32>
    %slice3A = vector.extract_strided_slice %add3A_45 {offsets = [11, 0], sizes = [144, 64], strides = [1, 1]} : vector<184x576xf32> to vector<144x64xf32>
    %add3A_47 = arith.addf %broadcast_in_dim3A_46, %slice3A : vector<144x64xf32>
    %slice3A_48 = vector.extract_strided_slice %add3A_45 {offsets = [12, 64], sizes = [144, 64], strides = [1, 1]} : vector<184x576xf32> to vector<144x64xf32>
    %add3A_49 = arith.addf %add3A_47, %slice3A_48 : vector<144x64xf32>
    %slice3A_50 = vector.extract_strided_slice %add3A_45 {offsets = [13, 128], sizes = [144, 64], strides = [1, 1]} : vector<184x576xf32> to vector<144x64xf32>
    %add3A_51 = arith.addf %add3A_49, %slice3A_50 : vector<144x64xf32>
    %slice3A_52 = vector.extract_strided_slice %add3A_45 {offsets = [23, 192], sizes = [144, 64], strides = [1, 1]} : vector<184x576xf32> to vector<144x64xf32>
    %add3A_53 = arith.addf %add3A_51, %slice3A_52 : vector<144x64xf32>
    %slice3A_54 = vector.extract_strided_slice %add3A_45 {offsets = [24, 256], sizes = [144, 64], strides = [1, 1]} : vector<184x576xf32> to vector<144x64xf32>
    %add3A_55 = arith.addf %add3A_53, %slice3A_54 : vector<144x64xf32>
    %slice3A_56 = vector.extract_strided_slice %add3A_45 {offsets = [25, 320], sizes = [144, 64], strides = [1, 1]} : vector<184x576xf32> to vector<144x64xf32>
    %add3A_57 = arith.addf %add3A_55, %slice3A_56 : vector<144x64xf32>
    %slice3A_58 = vector.extract_strided_slice %add3A_45 {offsets = [35, 384], sizes = [144, 64], strides = [1, 1]} : vector<184x576xf32> to vector<144x64xf32>
    %add3A_59 = arith.addf %add3A_57, %slice3A_58 : vector<144x64xf32>
    %slice3A_60 = vector.extract_strided_slice %add3A_45 {offsets = [36, 448], sizes = [144, 64], strides = [1, 1]} : vector<184x576xf32> to vector<144x64xf32>
    %add3A_61 = arith.addf %add3A_59, %slice3A_60 : vector<144x64xf32>
    %slice3A_62 = vector.extract_strided_slice %add3A_45 {offsets = [37, 512], sizes = [144, 64], strides = [1, 1]} : vector<184x576xf32> to vector<144x64xf32>
    %add3A_63 = arith.addf %add3A_61, %slice3A_62 : vector<144x64xf32>
    %get3A_64 = arith.constant 0 : index
    %get3A_65 = arith.constant 0 : index
    %get3A_66 = arith.constant 0 : index
    %get3A_67 = vector.load %arg11[%get3A_64, %get3A_65, %get3A_66] : memref<1x144x1xf32, #tpu.memory_space<vmem>>, vector<1x144x1xf32>
    %get3A_68 = vector.shape_cast %get3A_67 : vector<1x144x1xf32> to vector<144x1xf32>
    %mul3A = vector.broadcast %get3A_68 : vector<144x1xf32> to vector<144x64xf32>
    %mul3A_69 = arith.mulf %add3A_63, %mul3A : vector<144x64xf32>
    %get3A_70 = arith.constant 0 : index
    %get3A_71 = arith.constant 0 : index
    %get3A_72 = vector.load %arg10[%get3A_70, %get3A_71] : memref<1x64xf32, #tpu.memory_space<vmem>>, vector<1x64xf32>
    %get3A_73 = vector.shape_cast %get3A_72 : vector<1x64xf32> to vector<64xf32>
    %broadcast_in_dim3A_74 = vector.shape_cast %get3A_73 : vector<64xf32> to vector<1x64xf32>
    %add3A_75 = vector.broadcast %broadcast_in_dim3A_74 : vector<1x64xf32> to vector<144x64xf32>
    %add3A_76 = arith.addf %mul3A_69, %add3A_75 : vector<144x64xf32>
    %mul3A_77 = vector.broadcast %get3A_68 : vector<144x1xf32> to vector<144x64xf32>
    %mul3A_78 = arith.mulf %add3A_76, %mul3A_77 : vector<144x64xf32>
    %max3A = arith.constant 0.000000e+00 : f32
    %max3A_79 = vector.broadcast %max3A : f32 to vector<144x64xf32>
    %max3A_80 = arith.maximumf %mul3A_78, %max3A_79 : vector<144x64xf32>
    %swap3A = arith.constant 0 : index
    %swap3A_81 = arith.constant 0 : index
    %swap3A_82 = arith.constant 0 : index
    %swap3A_83 = vector.load %arg12[%swap3A, %swap3A_81, %swap3A_82] : memref<1x144x64xf32, #tpu.memory_space<vmem>>, vector<1x144x64xf32>
    %swap3A_84 = vector.shape_cast %swap3A_83 : vector<1x144x64xf32> to vector<144x64xf32>
    %swap3A_85 = vector.shape_cast %max3A_80 : vector<144x64xf32> to vector<1x144x64xf32>
    tpu.vector_store %arg12[%swap3A, %swap3A_81, %swap3A_82], %swap3A_85 {strides = array<i32>} : memref<1x144x64xf32, #tpu.memory_space<vmem>>, vector<1x144x64xf32>,
    return
  }
  func.func @transform_0(%arg0: i32, %arg1: i32) -> (i32, i32, i32) {
    %add3A = arith.constant 0 : i32
    %add3A_0 = arith.addi %arg0, %add3A : i32
    %c0_i32 = arith.constant 0 : i32
    %c0_i32_1 = arith.constant 0 : i32
    return %add3A_0, %arg1, %c0_i32 : i32, i32, i32
  }
  func.func @transform_1(%arg0: i32, %arg1: i32) -> (i32, i32, i32) {
    %add3A = arith.constant 0 : i32
    %add3A_0 = arith.addi %arg0, %add3A : i32
    %add3A_1 = arith.constant 1 : i32
    %add3A_2 = arith.addi %arg1, %add3A_1 : i32
    %c0_i32 = arith.constant 0 : i32
    %c0_i32_3 = arith.constant 0 : i32
    return %add3A_0, %add3A_2, %c0_i32 : i32, i32, i32
  }
  func.func @transform_2(%arg0: i32, %arg1: i32) -> (i32, i32, i32) {
    %add3A = arith.constant 1 : i32
    %add3A_0 = arith.addi %arg0, %add3A : i32
    %c0_i32 = arith.constant 0 : i32
    %c0_i32_1 = arith.constant 0 : i32
    return %add3A_0, %arg1, %c0_i32 : i32, i32, i32
  }
  func.func @transform_3(%arg0: i32, %arg1: i32) -> (i32, i32, i32) {
    %add3A = arith.constant 1 : i32
    %add3A_0 = arith.addi %arg0, %add3A : i32
    %add3A_1 = arith.constant 1 : i32
    %add3A_2 = arith.addi %arg1, %add3A_1 : i32
    %c0_i32 = arith.constant 0 : i32
    %c0_i32_3 = arith.constant 0 : i32
    return %add3A_0, %add3A_2, %c0_i32 : i32, i32, i32
  }
  func.func @transform_4(%arg0: i32, %arg1: i32) -> (i32, i32, i32) {
    %add3A = arith.constant 2 : i32
    %add3A_0 = arith.addi %arg0, %add3A : i32
    %c0_i32 = arith.constant 0 : i32
    %c0_i32_1 = arith.constant 0 : i32
    return %add3A_0, %arg1, %c0_i32 : i32, i32, i32
  }
  func.func @transform_5(%arg0: i32, %arg1: i32) -> (i32, i32, i32) {
    %add3A = arith.constant 2 : i32
    %add3A_0 = arith.addi %arg0, %add3A : i32
    %add3A_1 = arith.constant 1 : i32
    %add3A_2 = arith.addi %arg1, %add3A_1 : i32
    %c0_i32 = arith.constant 0 : i32
    %c0_i32_3 = arith.constant 0 : i32
    return %add3A_0, %add3A_2, %c0_i32 : i32, i32, i32
  }
  func.func @transform_6(%arg0: i32, %arg1: i32) -> (i32, i32) {
    %c0_i32 = arith.constant 0 : i32
    %c0_i32_0 = arith.constant 0 : i32
    %c0_i32_1 = arith.constant 0 : i32
    return %c0_i32, %c0_i32_0 : i32, i32
  }
  func.func @transform_7(%arg0: i32, %arg1: i32) -> (i32, i32) {
    %c0_i32 = arith.constant 0 : i32
    %c0_i32_0 = arith.constant 0 : i32
    %c0_i32_1 = arith.constant 0 : i32
    return %c0_i32, %c0_i32_0 : i32, i32
  }
  func.func @transform_8(%arg0: i32, %arg1: i32) -> (i32, i32) {
    %c0_i32 = arith.constant 0 : i32
    %c0_i32_0 = arith.constant 0 : i32
    %c0_i32_1 = arith.constant 0 : i32
    return %c0_i32, %c0_i32_0 : i32, i32
  }
  func.func @transform_9(%arg0: i32, %arg1: i32) -> (i32, i32, i32) {
    %c0_i32 = arith.constant 0 : i32
    %c0_i32_0 = arith.constant 0 : i32
    return %arg0, %arg1, %c0_i32 : i32, i32, i32
  }
  func.func @transform_10(%arg0: i32, %arg1: i32) -> (i32, i32, i32) {
    %c0_i32 = arith.constant 0 : i32
    %c0_i32_0 = arith.constant 0 : i32
    return %arg0, %arg1, %c0_i32 : i32, i32, i32
  }
}

module attributes {stable_mosaic.version = 14 : i64} {
  func.func @_sconv_body(%arg0: i32, %arg1: memref<200x192xf32, #tpu.memory_space<vmem>>, %arg2: memref<200x3xf32, #tpu.memory_space<vmem>>, %arg3: memref<192x64xbf16, #tpu.memory_space<vmem>>, %arg4: memref<192x64xbf16, #tpu.memory_space<vmem>>, %arg5: memref<1x64xf32, #tpu.memory_space<vmem>>, %arg6: memref<200x64xf32, #tpu.memory_space<vmem>>, %arg7: memref<200x1xf32, #tpu.memory_space<vmem>>) attributes {dimension_semantics = [#tpu.dimension_semantics<arbitrary>], iteration_bounds = array<i64: 1>, scalar_prefetch = 0 : i64, scratch_operands = 0 : i64, tpu.core_type = #tpu.core_type<tc>, window_params = [{transform_indices = @transform_0, window_bounds = array<i64: 200, 192>}, {transform_indices = @transform_1, window_bounds = array<i64: 200, 3>}, {pipeline_mode = #tpu.pipeline_mode<synchronous>, transform_indices = @transform_2, window_bounds = array<i64: 192, 64>}, {pipeline_mode = #tpu.pipeline_mode<synchronous>, transform_indices = @transform_3, window_bounds = array<i64: 192, 64>}, {pipeline_mode = #tpu.pipeline_mode<synchronous>, transform_indices = @transform_4, window_bounds = array<i64: 1, 64>}, {transform_indices = @transform_5, window_bounds = array<i64: 200, 64>}, {transform_indices = @transform_6, window_bounds = array<i64: 200, 1>}]} {
    %get3A = arith.constant 0 : index
    %get3A_0 = arith.constant 0 : index
    %get3A_1 = vector.load %arg1[%get3A, %get3A_0] : memref<200x192xf32, #tpu.memory_space<vmem>>, vector<200x192xf32>
    %convert_element_type3A = arith.truncf %get3A_1 : vector<200x192xf32> to vector<200x192xbf16>
    %convert_element_type3A_2 = arith.extf %convert_element_type3A : vector<200x192xbf16> to vector<200x192xf32>
    %sub3A = arith.subf %get3A_1, %convert_element_type3A_2 : vector<200x192xf32>
    %convert_element_type3A_3 = arith.truncf %sub3A : vector<200x192xf32> to vector<200x192xbf16>
    %get3A_4 = arith.constant 0 : index
    %get3A_5 = arith.constant 0 : index
    %get3A_6 = vector.load %arg3[%get3A_4, %get3A_5] : memref<192x64xbf16, #tpu.memory_space<vmem>>, vector<192x64xbf16>
    %get3A_7 = arith.constant 0 : index
    %get3A_8 = arith.constant 0 : index
    %get3A_9 = vector.load %arg4[%get3A_7, %get3A_8] : memref<192x64xbf16, #tpu.memory_space<vmem>>, vector<192x64xbf16>
    %dot_general3A = arith.constant dense<0.000000e+00> : vector<200x64xf32>
    %dot_general3A_10 = tpu.matmul %convert_element_type3A, %get3A_6, %dot_general3A {dimension_numbers = #tpu.dot_dimension_numbers<[1], [0], [0], [1], [0, 0, 1, 1], [], []>, transpose_lhs_hint = false} : vector<200x192xbf16>, vector<192x64xbf16>, vector<200x64xf32> -> vector<200x64xf32>
    %dot_general3A_11 = arith.constant dense<0.000000e+00> : vector<200x64xf32>
    %dot_general3A_12 = tpu.matmul %convert_element_type3A, %get3A_9, %dot_general3A_11 {dimension_numbers = #tpu.dot_dimension_numbers<[1], [0], [0], [1], [0, 0, 1, 1], [], []>, transpose_lhs_hint = false} : vector<200x192xbf16>, vector<192x64xbf16>, vector<200x64xf32> -> vector<200x64xf32>
    %add3A = arith.addf %dot_general3A_10, %dot_general3A_12 : vector<200x64xf32>
    %dot_general3A_13 = arith.constant dense<0.000000e+00> : vector<200x64xf32>
    %dot_general3A_14 = tpu.matmul %convert_element_type3A_3, %get3A_6, %dot_general3A_13 {dimension_numbers = #tpu.dot_dimension_numbers<[1], [0], [0], [1], [0, 0, 1, 1], [], []>, transpose_lhs_hint = false} : vector<200x192xbf16>, vector<192x64xbf16>, vector<200x64xf32> -> vector<200x64xf32>
    %add3A_15 = arith.addf %add3A, %dot_general3A_14 : vector<200x64xf32>
    %get3A_16 = arith.constant 0 : index
    %get3A_17 = arith.constant 0 : index
    %get3A_18 = vector.load %arg2[%get3A_16, %get3A_17] : memref<200x3xf32, #tpu.memory_space<vmem>>, vector<200x3xf32>
    %reduce_sum3A = arith.constant dense<0.000000e+00> : vector<200xf32>
    %reduce_sum3A_19 = vector.multi_reduction <add>, %get3A_18, %reduce_sum3A [1] : vector<200x3xf32> to vector<200xf32>
    %broadcast_in_dim3A = vector.shape_cast %reduce_sum3A_19 : vector<200xf32> to vector<200x1xf32>
    %gt3A = arith.constant 0.000000e+00 : f32
    %gt3A_20 = vector.broadcast %gt3A : f32 to vector<200x1xf32>
    %gt3A_21 = arith.cmpf ogt, %broadcast_in_dim3A, %gt3A_20 : vector<200x1xf32>
    %convert_element_type3A_22 = arith.extui %gt3A_21 : vector<200x1xi1> to vector<200x1xi32>
    %convert_element_type3A_23 = arith.sitofp %convert_element_type3A_22 : vector<200x1xi32> to vector<200x1xf32>
    %get3A_24 = arith.constant 0 : index
    %get3A_25 = arith.constant 0 : index
    %get3A_26 = vector.load %arg5[%get3A_24, %get3A_25] : memref<1x64xf32, #tpu.memory_space<vmem>>, vector<1x64xf32>
    %get3A_27 = vector.shape_cast %get3A_26 : vector<1x64xf32> to vector<64xf32>
    %broadcast_in_dim3A_28 = vector.shape_cast %get3A_27 : vector<64xf32> to vector<1x64xf32>
    %add3A_29 = vector.broadcast %broadcast_in_dim3A_28 : vector<1x64xf32> to vector<200x64xf32>
    %add3A_30 = arith.addf %add3A_15, %add3A_29 : vector<200x64xf32>
    %mul3A = vector.broadcast %convert_element_type3A_23 : vector<200x1xf32> to vector<200x64xf32>
    %mul3A_31 = arith.mulf %add3A_30, %mul3A : vector<200x64xf32>
    %max3A = arith.constant 0.000000e+00 : f32
    %max3A_32 = vector.broadcast %max3A : f32 to vector<200x64xf32>
    %max3A_33 = arith.maximumf %mul3A_31, %max3A_32 : vector<200x64xf32>
    %swap3A = arith.constant 0 : index
    %swap3A_34 = arith.constant 0 : index
    %swap3A_35 = vector.load %arg6[%swap3A, %swap3A_34] : memref<200x64xf32, #tpu.memory_space<vmem>>, vector<200x64xf32>
    tpu.vector_store %arg6[%swap3A, %swap3A_34], %max3A_33 {strides = array<i32>} : memref<200x64xf32, #tpu.memory_space<vmem>>, vector<200x64xf32>,
    %swap3A_36 = arith.constant 0 : index
    %swap3A_37 = arith.constant 0 : index
    %swap3A_38 = vector.load %arg7[%swap3A_36, %swap3A_37] : memref<200x1xf32, #tpu.memory_space<vmem>>, vector<200x1xf32>
    tpu.vector_store %arg7[%swap3A_36, %swap3A_37], %convert_element_type3A_23 {strides = array<i32>} : memref<200x1xf32, #tpu.memory_space<vmem>>, vector<200x1xf32>,
    return
  }
  func.func @transform_0(%arg0: i32) -> (i32, i32) {
    %c0_i32 = arith.constant 0 : i32
    %c0_i32_0 = arith.constant 0 : i32
    return %arg0, %c0_i32 : i32, i32
  }
  func.func @transform_1(%arg0: i32) -> (i32, i32) {
    %c0_i32 = arith.constant 0 : i32
    %c0_i32_0 = arith.constant 0 : i32
    return %arg0, %c0_i32 : i32, i32
  }
  func.func @transform_2(%arg0: i32) -> (i32, i32) {
    %c0_i32 = arith.constant 0 : i32
    %c0_i32_0 = arith.constant 0 : i32
    %c0_i32_1 = arith.constant 0 : i32
    return %c0_i32, %c0_i32_0 : i32, i32
  }
  func.func @transform_3(%arg0: i32) -> (i32, i32) {
    %c0_i32 = arith.constant 0 : i32
    %c0_i32_0 = arith.constant 0 : i32
    %c0_i32_1 = arith.constant 0 : i32
    return %c0_i32, %c0_i32_0 : i32, i32
  }
  func.func @transform_4(%arg0: i32) -> (i32, i32) {
    %c0_i32 = arith.constant 0 : i32
    %c0_i32_0 = arith.constant 0 : i32
    %c0_i32_1 = arith.constant 0 : i32
    return %c0_i32, %c0_i32_0 : i32, i32
  }
  func.func @transform_5(%arg0: i32) -> (i32, i32) {
    %c0_i32 = arith.constant 0 : i32
    %c0_i32_0 = arith.constant 0 : i32
    return %arg0, %c0_i32 : i32, i32
  }
  func.func @transform_6(%arg0: i32) -> (i32, i32) {
    %c0_i32 = arith.constant 0 : i32
    %c0_i32_0 = arith.constant 0 : i32
    return %arg0, %c0_i32 : i32, i32
  }
}

</mosaic_0001>

<sc_bundles>
// kernel: sparse-core-data-format-call.1.cloned.1.call-start
scs
called_computation.1_lowered:
.L_overlay_start_0:
0x0: {  	s1 =	sld [smem:$0x3FD9]  }
0x1: {  	s2 =	sld [smem:$0x3FFE];
	_ =	sdelay $0x1  }
0x2: {  	s3 =	srdreg.scid  }
0x3: {  	s0 =	sand.u32 $0x1, s3  }
0x4: {  	s17 =	sshll.u32 s0, $0xA;
	s1 =	sadd.s32 s2, s1  }
0x5: {  	s1 =	sadd.s32 s1, s17  }
0x6: {  	[smem:$0x3F7F] =	sst s1  }
0x7: {  	_ = 	snop  }
0x8: {  	(tm) =	ssettm $0x1  }
0x9: {  	s18 =	sld [smem:$0x3FFB];
	_ =	sdelay $0x3  }
0xa: {  	_ =	strace s18  }
0xb: {  	s1 =	sld [smem:$0x3FFC];
	_ =	sdelay $0x3  }
0xc: {  	_ =	strace s1  }
0xd: {  	s1 =	sld [smem:$0x3FFD];
	_ =	sdelay $0x3  }
0xe: {  	_ =	strace s1  }
0xf: {  	_ =	strace $0x8FFFFFFF  }
0x10: {  	s19 =	sld [smem:$0x3FDB];
	_ =	sdelay $0x1  }
0x11: {  	s20 =	simm.s32 $_scs_section_size  }
0x12: {  	s4 =	simm.s32 $_size__tile_overlayer_lowered;
	s5 =	simm.s32 $_tile_overlayer_lowered  }
0x13: {  	s23 =	simm.s32 $0x1BFF;
	s22 =	sshll.u32 s5, $0x1;
	s1 =	sadd.s32 s20, s19  }
0x14: {  	s6 =	simm.s32 $0x0;
	s21 =	sshll.u32 s4, $0x1;
	s4 =	sadd.s32 s22, s1  }
0x15: {  	[timem:s6], [sflag:s23] =	dma.local [hbm:s4], s21  }
0x16: {  	_ =	swait.ge [sflag:s23], s21  }
0x17: {  	s2 =	ssub.s32 $0x0, s21;
	[sflag:s23] =	ssyncset.done $0x0  }
0x18: {  	[sflag:s23] =	ssyncadd.s32 s2;
	_ =	sdelay $0x1  }
0x19: {  	s24 =	simm.s32 $0x1B8B  }
0x1a: {  	_ =	swait.ge [sflag:s24], $0x1  }
0x1b: {  	[sflag:s24] =	ssyncset.done $0x0  }
0x1c: {  	s26 =	simm.s32 $0x1B8E;
	s25 =	sld [smem:$0x3FFE];
	[sflag:s24] =	ssyncadd.s32 $0xFFFFFFFF  }
0x1d: {  	s27 =	simm.s32 $execute0_lowered;
	[smem:$0x3FD2] =	sst s26  }
0x1e: {  	s4 =	sshll.u32 s27, $0x1;
	_ =	strace $0x80000046;
	[dreg:$0x1] =	wrdreg $0xFFFFFFFF  }
0x1f: {  	s28 =	simm.s32 $_size_execute0_lowered;
	s1 =	sadd.s32 s1, s4;
	[dreg:$0x0] =	wrdreg $0x0  }
0x20: {  	s4 =	sshll.u32 s28, $0x1;
	[dreg:$0x2] =	wrdreg s1  }
0x21: {  	[dreg:$0x3] =	wrdreg s4  }
0x22: {  	[dreg:$0x4] =	wrdreg $0xC0  }
0x23: {  	_ =	task [dreg:s6], $0x5FFFF  }
0x24: {  	[dreg:$0x1] =	wrdreg $0xFFFFFFFF  }
0x25: {  	[dreg:$0x0] =	wrdreg $0x60  }
0x26: {  	[dreg:$0x2] =	wrdreg s25  }
0x27: {  	[dreg:$0x3] =	wrdreg $0x9  }
0x28: {  	_ =	task.clear_ibuf [dreg:s6], $0x4FFFF;
	_ =	strace $0x90000046  }
0x29: {  	s29 =	simm.s32 $0x9;
	_ =	strace $0x80000048  }
0x2a: {  	_ =	swait.ge [sflag:s29], $0x1  }
0x2b: {  	[sflag:s29] =	ssyncadd.s32 $0xFFFFFFFF  }
0x2c: {  	_ =	strace $0x90000048  }
0x2d: {  	_ =	sfence  }
0x2e: {  	s30 =	sld [smem:$0x0];
	_ =	sdelay $0x2  }
0x2f: {  	s31 =	sshll.u32 s3, $0xD;
	s3 =	sshrl.u32 s3, $0x2  }
0x30: {  	s2 =	sand.u32 $0x4000, s31;
	s1 =	sadd.s32 s3, s30  }
0x31: {  	s0 =	sor.u32 s2, s0;
	s1 =	sshll.u32 s1, $0x11  }
0x32: {  	s0 =	sor.u32 s1, s0  }
0x33: {  	s0 =	sadd.s32 $0x8F2B, s0  }
0x34: {  	[sflag:s0] =	ssyncadd.remote.s32 $0x1  }
0x35: {  	_ =	sfence.sel $0xFFFF  }
0x36: {  	[dreg:$0x0] =	wrdreg $0xFFFFFFFF;
	(pc) =	sbr.abs _section_cstart, $3  }
0x37: {  	[dreg:$0x1] =	wrdreg $0xFFFFFFFF  }
0x38: {  	_ =	task.clear_ibuf [dreg:s6], $0x2FFFF;
	_ =	strace $0x9FFFFFFF  }
0x39: {  	(tm) =	ssettm $0x7FFFFFFF  }
tec
execute0_lowered:
.L_overlay_start_1:
0x0: {  	(tag) =	ssettag $0x1  }
0x1: {  	s0 =	srdreg.scid;
	s6 =	rddreg [dreg:$0x0];
	s4 =	simm.s32 $0x1  }
0x2: {  	s7 =	simm.s32 $0x2;
	s13 =	simm.s32 $0x0;
	s1 =	sshll.u32 s0, $0x4  }
0x3: {  	p0 =	por $0x0, $0x0;
	s0 =	stileid.u32;
	s1 =	sand.u32 $0x10, s1  }
0x4: {  	s8 =	simm.s32 $0x80;
	s9 =	simm.s32 $0x2800;
	s2 =	sor.u32 s0, s1  }
.Ltmp0:
0x5: {  	s14 =	simm.s32 $0x0;
	s3 =	ssub.s32 $0x6F, s2;
	(pc) =	sbr.rel .LBB1_1-.Ltmp0, $4  }
0x6: {  	s11 =	simm.s32 $0x0;
	s12 =	simm.s32 $0x0;
	s5 =	sshrl.u32 s3, $0x5  }
0x7: {  	s1 =	rddreg [dreg:$0x1];
	_ =	strace $0x80000047;
	s5 =	smul.u32 $0x29, s5  }
0x8: {  	[sflag:s4] =	ssyncpa.u1 $0x0;
	s10 =	smov.u32 s2;
	s3 =	sadd.s32 $0x2E800, s6  }
0x9: {  	s6 =	sadd.s32 $0x42F800, s6;
	[sflag:s7] =	ssyncpa.u1 $0x0;
	s7 =	sadd.s32 $0x1, s5  }
.LBB1_4:
0xa: {  	s13 =	sand.u32 $0x1FFFFFF, s13  }
0xb: {  	s17 =	smulhi.u32 $0x3333334, s13;
	_ =	sdelay $0x1  }
0xc: {  	s17 =	smul.u32 $0x50, s17  }
0xd: {  	s14 =	smul.u32 $0x14000, s14  }
0xe: {  	[tilespmem:s16+$0x810 ss:$0x81] =	vst.msk $0xffff, v2;
	s13 =	ssub.s32 s13, s17  }
0xf: {  	[tilespmem:s16+$0x1020 ss:$0x81] =	vst.msk $0xffff, v0;
	s14 =	sadd.s32 s6, s14;
	s13 =	sshll.u32 s13, $0x4  }
0x10: {  	[tilespmem:s16+$0x0 ss:$0x81] =	vst.msk $0xffff, v1;
	s13 =	sadd.s32 s13, s14  }
0x11: {  	[hbm4b:s13+s8] =	stream.strided.scatter [tilespmem:s15], [sflag:$0x2], $0x2000, s9, s8, $0x20;
	[tilespmem:$0x8080] =	vst v63  }
.LBB1_5:
0x12: {  	s15 =	sadd.s32 $0x20, s10  }
0x13: {  	s13 =	simm.s32 $0x1;
	p2 =	sgt.s32 s15, $0x4F  }
0x14: {  	s13 =	simm.s32 @!p2 $0x0  }
0x15: {  	s17 =	sadd.s32 s13, s11  }
0x16: {  	s15 =	smov.u32 @p2 s2;
	p2 =	sgt.s32 s17, $0x28  }
0x17: {  	s17 =	simm.s32 @p2 $0x0;
	p2 =	sne.s32 s12, s7  }
.Ltmp1:
0x18: {  	p1 =	slt.u32 s12, $0x2;
	(pc) =	sbr.rel @!p2 .LBB1_6-.Ltmp1, $4  }
0x19: {  	s16 =	simm.s32 @!p1 $0x2  }
0x1a: {  	s14 =	smov.u32 s11;
	p0 =	por !p0, !p0;
	_ =	swait.ge @!p1 [sflag:s16], $0x2000  }
0x1b: {  	[sflag:s16] =	ssyncset.done @!p1 $0x0;
	s13 =	smov.u32 s10;
	s10 =	smov.u32 s15  }
0x1c: {  	[sflag:s16] =	ssyncadd.s32 @!p1 $0xFFFFE000;
	s12 =	sadd.s32 $0x1, s12;
	s11 =	smov.u32 s17  }
.LBB1_1:
0x1d: {  	p1 =	sge.u32 s12, s5  }
0x1e: {  	p2 =	sgt.s32 @!p1 s11, $0x28  }
0x1f: {  	s15 =	smov.u32 s11;
	s17 =	smov.u32 s10;
	p2 =	por !p2, p1  }
0x20: {  	s16 =	sshra.s32 @!p1 s11, $0x1F;
	s15 =	simm.s32 @p2 $0x28;
	p2 =	sgt.s32 @!p1 s10, $0x4F  }
0x21: {  	s18 =	sshra.s32 @!p1 s10, $0x1F;
	s16 =	sand.u32 @!p1 s16, s11;
	p2 =	por !p2, p1  }
0x22: {  	s18 =	sand.u32 @!p1 s18, s10;
	s15 =	ssub.s32 @!p1 s15, s16;
	s17 =	simm.s32 @p2 $0x4F  }
0x23: {  	s31 =	sadd.s32 $0xFFFFFFFF, s12;
	s16 =	ssub.s32 @!p1 s17, s18;
	s17 =	sadd.s32 @!p1 $0xFFFFFFD8, s15  }
0x24: {  	s15 =	ssub.s32 @!p1 $0x29, s15;
	s18 =	sadd.s32 @!p1 $0xFFFFFFB1, s16;
	p2 =	sgt.s32 @!p1 s17, $0x0  }
0x25: {  	s15 =	smul.u32 @!p1 $0x5000, s15;
	s16 =	ssub.s32 @!p1 $0x50, s16;
	p3 =	sgt.s32 @!p1 s18, $0x0  }
0x26: {  	s17 =	smul.u32 @!p1 $0x19000, s11;
	p2 =	por !p2, p1;
	p3 =	por !p3, p1  }
0x27: {  	s18 =	smul.u32 @!p1 $0x500, s10;
	s15 =	simm.s32 @!p2 $0x0;
	s16 =	simm.s32 @!p3 $0x0  }
0x28: {  	s17 =	sadd.s32 @!p1 s3, s17;
	s15 =	smul.u32 @!p1 s16, s15;
	s16 =	sxor.u32 @!p1 $0xFFFFFFFF, s12  }
0x29: {  	s19 =	simm.s32 @!p1 $0x80;
	s17 =	sadd.s32 @!p1 s18, s17;
	s16 =	sshll.u32 @!p1 s16, $0xD  }
0x2a: {  	s18 =	simm.s32 @!p1 $0x40;
	s16 =	sand.u32 @!p1 $0x2000, s16;
	s15 =	sshrl.u32 @!p1 s15, $0x2  }
0x2b: {  	[tilespmem:s16], [sflag:$0x1] =	stream.strided.gather @!p1 [hbm4b:s17+s18], s15, s19, s18, $0x38;
	[tilespmem:$0x8080] =	vst v63  }
0x2c: {  	p1 =	sge.u32 s31, s5  }
.Ltmp2:
0x2d: {  	_ = 	snop;
	(pc) =	sbr.rel @p1 .LBB1_5-.Ltmp2, $1  }
0x2e: {  	_ =	sdelay $0x3  }
0x2f: {  	p1 =	sgt.s32 s14, $0x28;
	s15 =	smov.u32 s14  }
0x30: {  	s16 =	sshra.s32 s14, $0x1F;
	s17 =	smov.u32 s13;
	s18 =	sshra.s32 s13, $0x1F  }
0x31: {  	s15 =	simm.s32 @!p1 $0x28;
	s16 =	sand.u32 s16, s14;
	p1 =	sgt.s32 s13, $0x4F  }
0x32: {  	s26 =	sand.u32 s18, s13;
	s15 =	ssub.s32 s15, s16;
	s17 =	simm.s32 @!p1 $0x4F  }
0x33: {  	s27 =	ssub.s32 $0x29, s15;
	s16 =	ssub.s32 s17, s26  }
0x34: {  	s15 =	sadd.s32 $0xFFFFFFD8, s15;
	s17 =	sadd.s32 $0xFFFFFFB1, s16;
	s18 =	smul.u32 $0x5000, s27  }
0x35: {  	p1 =	sgt.s32 s15, $0x0;
	s15 =	ssub.s32 $0x50, s16;
	p2 =	sgt.s32 s17, $0x0  }
0x36: {  	s15 =	simm.s32 @p2 $0x0;
	s18 =	simm.s32 @p1 $0x0  }
0x37: {  	s15 =	smul.u32 s15, s18;
	_ =	sdelay $0x1  }
0x38: {  	s16 =	simm.s32 $0x1;
	s15 =	sshrl.u32 s15, $0x2  }
0x39: {  	s16 =	simm.s32 @!p0 $0x0;
	_ =	swait.ge [sflag:s4], s15  }
0x3a: {  	s28 =	sshll.u32 s16, $0xD;
	s15 =	ssub.s32 $0x0, s15;
	[sflag:s4] =	ssyncset.done $0x0  }
0x3b: {  	s19 =	sor.u32 $0x20, s28;
	[sflag:s4] =	ssyncadd.s32 s15  }
0x3c: {  	s29 =	smul.u32 $0x8100, s16;
	v3 =	vld [tilespmem:s19+$0x10]  }
0x3d: {  	s30 =	sand.u32 $0x1, s12;
	v2 =	vld [tilespmem:s19+$0xFFFFFFF0]  }
0x3e: {  	s16 =	smul.u32 $0x8100, s30;
	s15 =	sshrl.u32 s29, $0x2;
	v0 =	vld [tilespmem:s19+$0x0]  }
0x3f: {  	s17 =	sor.u32 $0x4000, s15;
	v1 =	vld [tilespmem:s19+$0xFFFFFFE0]  }
0x40: {  	s31 =	sshrl.u32 s16, $0x2;
	s16 =	sadd.s32 $0x0, s17  }
0x41: {  	s18 =	simm.s32 $0x4;
	s15 =	sor.u32 $0x4000, s31;
	s19 =	sadd.s32 $0x40, s19;
	[tilespmem:s16+$0x1830 ss:$0x81] =	vst.msk $0xffff, v3  }
.LBB1_3:
0x42: {  	v3 =	vld [tilespmem:s19+$0x10];
	p1 =	sne.s32 s18, $0x1FC;
	[tilespmem:s16+$0x810 ss:$0x81] =	vst.msk $0xffff, v2;
	s20 =	smov.u32 s18;
	s18 =	sadd.s32 $0x4, s18  }
.Ltmp3:
0x43: {  	v2 =	vld [tilespmem:s19+$0xFFFFFFF0];
	[tilespmem:s16+$0x1020 ss:$0x81] =	vst.msk $0xffff, v0;
	(pc) =	sbr.rel @p1 .LBB1_3-.Ltmp3, $4  }
0x44: {  	v0 =	vld [tilespmem:s19+$0x0];
	[tilespmem:s16+$0x0 ss:$0x81] =	vst.msk $0xffff, v1  }
0x45: {  	s16 =	sshra.s32 s20, $0x2;
	v1 =	vld [tilespmem:s19+$0xFFFFFFE0]  }
0x46: {  	s16 =	sadd.s32 s16, s17  }
0x47: {  	s19 =	sadd.s32 $0x40, s19;
	[tilespmem:s16+$0x1830 ss:$0x81] =	vst.msk $0xffff, v3  }
.Ltmp4:
0x48: {  	_ = 	snop;
	(pc) =	sbr.rel .LBB1_4-.Ltmp4, $1  }
0x49: {  	_ =	sdelay $0x3  }
.LBB1_6:
0x4a: {  	_ =	sfence.sel $0x180000  }
0x4b: {  	s2 =	simm.s32 $0x1;
	[bflag:$0x0] =	sbarrier.arrive $0xFFFF  }
0x4c: {  	s31 =	simm.s32 $0x2;
	[sflag:s2] =	ssyncpa.u1 $0x1  }
0x4d: {  	[sflag:s31] =	ssyncpa.u1 $0x1  }
0x4e: {  	p0 =	sne.s32 s0, $0x0;
	_ =	strace $0x90000047  }
0x4f: {  	s0 =	sadd.s32 @!p0 $0x100000, s1;
	[bflag:$0x2] =	sbarrier.arrive $0xFFFF  }
0x50: {  	[sflag:s0] =	ssyncadd.tile.s32 @!p0 $0x1;
	_ =	shalt  }
.Lfunc_end1:
_tile_overlayer_lowered:
.L_overlay_start_2:
0x51: {  	(tag) =	ssettag $0x2  }
0x52: {  	s0 =	rddreg [dreg:$0x0];
	s2 =	stileid.u32  }
0x53: {  	s1 =	rddreg [dreg:$0x1];
	p0 =	sne.s32 s2, $0x0  }
0x54: {  	s3 =	rddreg [dreg:$0x2];
	[bflag:$0x3] =	sbarrier.arrive $0xFFFF;
	s2 =	simm.s32 @!p0 $0x1C01  }
0x55: {  	[timem:s3], [sflag:s2] =	dma.local @!p0 [hbm:s0], s1  }
0x56: {  	s0 =	simm.s32 @!p0 $0x1  }
0x57: {  	_ =	swait.ge @!p0 [sflag:s0], s1  }
0x58: {  	s1 =	ssub.s32 @!p0 $0x0, s1;
	[sflag:s0] =	ssyncset.done @!p0 $0x0  }
0x59: {  	[sflag:s0] =	ssyncadd.s32 @!p0 s1  }
0x5a: {  	[bflag:$0x3] =	sbarrier.arrive $0xFFFF  }
0x5b: {  	_ =	shalt  }

// kernel: sparse-core-data-format-call.cloned.1.call-start
scs
called_computation_lowered:
.L_overlay_start_0:
0x0: {  	s1 =	sld [smem:$0x3FD9]  }
0x1: {  	s2 =	sld [smem:$0x3FFE];
	_ =	sdelay $0x1  }
0x2: {  	s3 =	srdreg.scid  }
0x3: {  	s0 =	sand.u32 $0x1, s3  }
0x4: {  	s17 =	sshll.u32 s0, $0xA;
	s1 =	sadd.s32 s2, s1  }
0x5: {  	s1 =	sadd.s32 s1, s17  }
0x6: {  	[smem:$0x3F7F] =	sst s1  }
0x7: {  	_ = 	snop  }
0x8: {  	(tm) =	ssettm $0x1  }
0x9: {  	s18 =	sld [smem:$0x3FFB];
	_ =	sdelay $0x3  }
0xa: {  	_ =	strace s18  }
0xb: {  	s1 =	sld [smem:$0x3FFC];
	_ =	sdelay $0x3  }
0xc: {  	_ =	strace s1  }
0xd: {  	s1 =	sld [smem:$0x3FFD];
	_ =	sdelay $0x3  }
0xe: {  	_ =	strace s1  }
0xf: {  	_ =	strace $0x8FFFFFFF  }
0x10: {  	s19 =	sld [smem:$0x3FDB];
	_ =	sdelay $0x1  }
0x11: {  	s20 =	simm.s32 $_scs_section_size  }
0x12: {  	s4 =	simm.s32 $_size__tile_overlayer_lowered;
	s5 =	simm.s32 $_tile_overlayer_lowered  }
0x13: {  	s23 =	simm.s32 $0x1BFF;
	s22 =	sshll.u32 s5, $0x1;
	s1 =	sadd.s32 s20, s19  }
0x14: {  	s6 =	simm.s32 $0x0;
	s21 =	sshll.u32 s4, $0x1;
	s4 =	sadd.s32 s22, s1  }
0x15: {  	[timem:s6], [sflag:s23] =	dma.local [hbm:s4], s21  }
0x16: {  	_ =	swait.ge [sflag:s23], s21  }
0x17: {  	s2 =	ssub.s32 $0x0, s21;
	[sflag:s23] =	ssyncset.done $0x0  }
0x18: {  	[sflag:s23] =	ssyncadd.s32 s2;
	_ =	sdelay $0x1  }
0x19: {  	s24 =	simm.s32 $0x1B8B  }
0x1a: {  	_ =	swait.ge [sflag:s24], $0x1  }
0x1b: {  	[sflag:s24] =	ssyncset.done $0x0  }
0x1c: {  	s26 =	simm.s32 $0x1B8E;
	s25 =	sld [smem:$0x3FFE];
	[sflag:s24] =	ssyncadd.s32 $0xFFFFFFFF  }
0x1d: {  	s27 =	simm.s32 $execute0_lowered;
	[smem:$0x3FD2] =	sst s26  }
0x1e: {  	s4 =	sshll.u32 s27, $0x1;
	_ =	strace $0x80000049;
	[dreg:$0x1] =	wrdreg $0xFFFFFFFF  }
0x1f: {  	s28 =	simm.s32 $_size_execute0_lowered;
	s1 =	sadd.s32 s1, s4;
	[dreg:$0x0] =	wrdreg $0x0  }
0x20: {  	s4 =	sshll.u32 s28, $0x1;
	[dreg:$0x2] =	wrdreg s1  }
0x21: {  	[dreg:$0x3] =	wrdreg s4  }
0x22: {  	[dreg:$0x4] =	wrdreg $0xC0  }
0x23: {  	_ =	task [dreg:s6], $0x5FFFF  }
0x24: {  	[dreg:$0x1] =	wrdreg $0xFFFFFFFF  }
0x25: {  	[dreg:$0x0] =	wrdreg $0x60  }
0x26: {  	[dreg:$0x2] =	wrdreg s25  }
0x27: {  	[dreg:$0x3] =	wrdreg $0x9  }
0x28: {  	_ =	task.clear_ibuf [dreg:s6], $0x4FFFF;
	_ =	strace $0x90000049  }
0x29: {  	s29 =	simm.s32 $0x9;
	_ =	strace $0x8000004B  }
0x2a: {  	_ =	swait.ge [sflag:s29], $0x1  }
0x2b: {  	[sflag:s29] =	ssyncadd.s32 $0xFFFFFFFF  }
0x2c: {  	_ =	strace $0x9000004B  }
0x2d: {  	_ =	sfence  }
0x2e: {  	s30 =	sld [smem:$0x0];
	_ =	sdelay $0x2  }
0x2f: {  	s31 =	sshll.u32 s3, $0xD;
	s3 =	sshrl.u32 s3, $0x2  }
0x30: {  	s2 =	sand.u32 $0x4000, s31;
	s1 =	sadd.s32 s3, s30  }
0x31: {  	s0 =	sor.u32 s2, s0;
	s1 =	sshll.u32 s1, $0x11  }
0x32: {  	s0 =	sor.u32 s1, s0  }
0x33: {  	s0 =	sadd.s32 $0x8F2B, s0  }
0x34: {  	[sflag:s0] =	ssyncadd.remote.s32 $0x1  }
0x35: {  	_ =	sfence.sel $0xFFFF  }
0x36: {  	[dreg:$0x0] =	wrdreg $0xFFFFFFFF;
	(pc) =	sbr.abs _section_cstart, $3  }
0x37: {  	[dreg:$0x1] =	wrdreg $0xFFFFFFFF  }
0x38: {  	_ =	task.clear_ibuf [dreg:s6], $0x2FFFF;
	_ =	strace $0x9FFFFFFF  }
0x39: {  	(tm) =	ssettm $0x7FFFFFFF  }
tec
execute0_lowered:
.L_overlay_start_1:
0x0: {  	(tag) =	ssettag $0x1  }
0x1: {  	s0 =	srdreg.scid;
	s4 =	rddreg [dreg:$0x0]  }
0x2: {  	s3 =	simm.s32 $0x1;
	s9 =	simm.s32 $0x2;
	s1 =	sshll.u32 s0, $0x4  }
0x3: {  	s13 =	simm.s32 $0x0;
	s0 =	stileid.u32;
	s1 =	sand.u32 $0x10, s1  }
0x4: {  	s15 =	simm.s32 $0x0;
	s11 =	simm.s32 $0x0;
	s2 =	sor.u32 s0, s1  }
0x5: {  	s12 =	simm.s32 $0x0;
	s14 =	simm.s32 $0x0;
	s1 =	sshll.u32 s2, $0xB  }
0x6: {  	s2 =	sshll.u32 s2, $0x8;
	s5 =	sand.u32 $0x7FFFF800, s1;
	s1 =	rddreg [dreg:$0x1]  }
0x7: {  	_ =	strace $0x8000004A;
	s7 =	sshrl.u32 s2, $0x7;
	s6 =	smulhi.u32 $0x92492493, s5  }
0x8: {  	s8 =	sadd.s32 s2, s4;
	s10 =	ssub.s32 $0x1B8C, s2;
	s7 =	smulhi.u32 $0x24924925, s7  }
0x9: {  	s4 =	sadd.s32 $0x1016C00, s4;
	[sflag:s3] =	ssyncpa.u1 $0x0;
	p0 =	sgt.s32 s10, $0x0  }
0xa: {  	[sflag:s9] =	ssyncpa.u1 $0x0;
	s6 =	sshrl.u32 s6, $0xC;
	s7 =	smul.u32 $0x380, s7  }
0xb: {  	s10 =	simm.s32 @!p0 $0x0;
	s9 =	simm.s32 $0x80;
	s6 =	smul.u32 $0x1C00, s6  }
.Ltmp0:
0xc: {  	s30 =	sand.u32 $0x1F8C, s10;
	s10 =	simm.s32 $0x0;
	(pc) =	sbr.rel .LBB1_1-.Ltmp0, $4  }
0xd: {  	p0 =	seq.s32 s30, $0x0;
	s29 =	ssub.s32 s7, s2;
	s5 =	ssub.s32 s5, s6  }
0xe: {  	s6 =	sadd.s32 s29, s8;
	s31 =	sshrl.u32 s5, $0x3;
	s5 =	simm.s32 $0x0  }
0xf: {  	s8 =	simm.s32 $0x40;
	s6 =	sadd.s32 s31, s6;
	s5 =	simm.s32 @!p0 $0x2B  }
0x10: {  	p0 =	por $0x0, $0x0;
	s6 =	sadd.s32 $0x3E0800, s6;
	s7 =	sadd.s32 $0x1, s5  }
.LBB1_4:
0x11: {  	_ = 	snop  }
0x12: {  	[tilespmem:s19+$0x1860 ss:$0x41] =	vst.msk $0xffff, v8  }
0x13: {  	[tilespmem:s19+$0x1C70 ss:$0x41] =	vst.msk $0xffff, v7  }
0x14: {  	[tilespmem:s19+$0x2490 ss:$0x41] =	vst.msk $0xffff, v1  }
0x15: {  	s23 =	sor.u32 s26, s25;
	v47 =	vld.idx.msk [tilespmem:v0+s20+$0x470 ss:$0x1], $0xffff;
	[tilespmem:s19+$0x28A0 ss:$0x41] =	vst.msk $0xffff, v2  }
0x16: {  	[tilespmem:s19+$0x2CB0 ss:$0x41] =	vst.msk $0xffff, v3;
	v48 =	vld.idx.msk [tilespmem:v0+s23+$0x410 ss:$0x1], $0xffff  }
0x17: {  	[tilespmem:s19+$0x30C0 ss:$0x41] =	vst.msk $0xffff, v4;
	v58 =	vld.idx.msk [tilespmem:v0+s23+$0x420 ss:$0x1], $0xffff  }
0x18: {  	[tilespmem:s19+$0x34D0 ss:$0x41] =	vst.msk $0xffff, v5;
	v59 =	vld.idx.msk [tilespmem:v0+s23+$0x430 ss:$0x1], $0xffff  }
0x19: {  	s31 =	sand.u32 $0x80, s22;
	s22 =	sshra.s32 s21, $0x2;
	[tilespmem:s19+$0x38E0 ss:$0x41] =	vst.msk $0xffff, v6;
	v60 =	vld.idx.msk [tilespmem:v0+s23+$0x440 ss:$0x1], $0xffff  }
0x1a: {  	s24 =	sand.u32 $0x3B00, s23;
	s18 =	sadd.s32 s22, s18;
	v61 =	vld.idx.msk [tilespmem:v0+s23+$0x450 ss:$0x1], $0xffff;
	[tilespmem:s19+$0x3CF0 ss:$0x41] =	vst.msk $0xffff, v47  }
0x1b: {  	v62 =	vld.idx.msk [tilespmem:v0+s23+$0x460 ss:$0x1], $0xffff;
	s17 =	sadd.s32 s24, s17;
	[tilespmem:s18+$0x2490 ss:$0x41] =	vst.msk $0xffff, v48  }
0x1c: {  	v63 =	vld.idx.msk [tilespmem:v0+s23+$0x470 ss:$0x1], $0xffff;
	s17 =	sadd.s32 s31, s17;
	[tilespmem:s18+$0x28A0 ss:$0x41] =	vst.msk $0xffff, v58  }
0x1d: {  	v49 =	vld [tilespmem:s17+$0x400];
	[tilespmem:s18+$0x2CB0 ss:$0x41] =	vst.msk $0xffff, v59  }
0x1e: {  	v50 =	vld [tilespmem:s17+$0x0];
	[tilespmem:s18+$0x30C0 ss:$0x41] =	vst.msk $0xffff, v60  }
0x1f: {  	v51 =	vld [tilespmem:s17+$0x10];
	[tilespmem:s18+$0x34D0 ss:$0x41] =	vst.msk $0xffff, v61  }
0x20: {  	p1 =	sgt.s32 s11, $0x2A;
	s20 =	smov.u32 s11;
	s26 =	sshra.s32 s11, $0x1F;
	v52 =	vld [tilespmem:s17+$0x20];
	[tilespmem:s18+$0x38E0 ss:$0x41] =	vst.msk $0xffff, v62  }
0x21: {  	s20 =	simm.s32 @!p1 $0x2A;
	s21 =	sand.u32 s26, s11;
	v53 =	vld [tilespmem:s17+$0x30];
	[tilespmem:s18+$0x3CF0 ss:$0x41] =	vst.msk $0xffff, v63  }
0x22: {  	p1 =	sgt.s32 s10, $0x1A90;
	s24 =	sand.u32 $0xFFFF00, s10;
	s20 =	ssub.s32 s20, s21;
	v54 =	vld [tilespmem:s17+$0x40];
	[tilespmem:s18+$0x2080 ss:$0x41] =	vst.msk $0xffff, v49  }
0x23: {  	s21 =	smov.u32 s10;
	s25 =	smulhi.u32 $0x949B93, s24;
	s27 =	sadd.s32 $0xFFFFFFD6, s20;
	v55 =	vld [tilespmem:s17+$0x50];
	[tilespmem:s18+$0x0 ss:$0x41] =	vst.msk $0xffff, v50  }
0x24: {  	s21 =	simm.s32 @!p1 $0x1A90;
	s20 =	ssub.s32 $0x2B, s20;
	v56 =	vld [tilespmem:s17+$0x60];
	p1 =	sgt.s32 s27, $0x0;
	[tilespmem:s18+$0x410 ss:$0x41] =	vst.msk $0xffff, v51  }
0x25: {  	v57 =	vld [tilespmem:s17+$0x70];
	s21 =	sshll.u32 s21, $0x6;
	s19 =	sshrl.u32 s25, $0x4;
	s20 =	simm.s32 @p1 $0x0;
	[tilespmem:s18+$0x820 ss:$0x41] =	vst.msk $0xffff, v52  }
0x26: {  	p1 =	sgt.s32 s10, $0x1B8F;
	s21 =	ssub.s32 $0x6E400, s21;
	s19 =	smul.u32 $0x1B90, s19;
	[tilespmem:s18+$0xC30 ss:$0x41] =	vst.msk $0xffff, v53  }
0x27: {  	s28 =	smul.u32 $0x1B900, s11;
	s21 =	simm.s32 @p1 $0x0;
	[tilespmem:s18+$0x1040 ss:$0x41] =	vst.msk $0xffff, v54  }
0x28: {  	s29 =	smul.u32 s20, s21;
	s17 =	ssub.s32 s24, s19;
	[tilespmem:s18+$0x1450 ss:$0x41] =	vst.msk $0xffff, v55  }
0x29: {  	s30 =	sadd.s32 s4, s28;
	[tilespmem:s18+$0x1860 ss:$0x41] =	vst.msk $0xffff, v56;
	s17 =	sshll.u32 s17, $0x4  }
0x2a: {  	[tilespmem:s18+$0x1C70 ss:$0x41] =	vst.msk $0xffff, v57;
	s31 =	sand.u32 $0x3FFFFFC0, s29;
	s17 =	sadd.s32 s17, s30  }
0x2b: {  	[hbm4b:s17+s8] =	stream.strided.scatter [tilespmem:s16], [sflag:$0x2], s31, s9, s8, $0x18;
	[tilespmem:$0x10200] =	vst v63  }
.LBB1_5:
0x2c: {  	p1 =	slt.u32 s14, $0x2  }
0x2d: {  	p2 =	sgt.s32 @!p1 s15, $0x2A  }
0x2e: {  	s16 =	smov.u32 s15;
	s17 =	sshra.s32 @!p1 s15, $0x1F;
	p2 =	por !p2, p1  }
0x2f: {  	s15 =	sand.u32 @!p1 s17, s15;
	s16 =	simm.s32 @p2 $0x2A;
	p2 =	sgt.s32 @!p1 s13, $0x1A90  }
0x30: {  	p3 =	sgt.s32 @!p1 s13, $0x1B8F;
	s15 =	ssub.s32 @!p1 s16, s15;
	p2 =	por !p2, p1  }
0x31: {  	p3 =	por !p3, p1;
	s16 =	sadd.s32 @!p1 $0xFFFFFFD6, s15;
	s13 =	simm.s32 @p2 $0x1A90  }
0x32: {  	s17 =	sadd.s32 $0x1, s12;
	p2 =	sgt.s32 @!p1 s16, $0x0;
	s13 =	sshll.u32 @!p1 s13, $0x6  }
0x33: {  	s15 =	ssub.s32 @!p1 $0x2B, s15;
	p2 =	por !p2, p1;
	s13 =	ssub.s32 @!p1 $0x6E400, s13  }
0x34: {  	s15 =	simm.s32 @!p2 $0x0;
	s13 =	simm.s32 @!p3 $0x0;
	p2 =	sgt.s32 s17, $0x2A  }
0x35: {  	s13 =	smul.u32 @!p1 s15, s13;
	s17 =	simm.s32 @p2 $0x0;
	p2 =	sne.s32 s14, s7  }
.Ltmp1:
0x36: {  	s19 =	sadd.s32 $0x1, s14;
	p0 =	por !p0, !p0;
	(pc) =	sbr.rel @!p2 .LBB1_6-.Ltmp1, $4  }
0x37: {  	s16 =	simm.s32 @!p1 $0x2;
	s15 =	smov.u32 s11;
	s13 =	sand.u32 @!p1 $0x3FFFFFC0, s13  }
0x38: {  	s11 =	smov.u32 s12;
	s14 =	smov.u32 s19;
	_ =	swait.ge @!p1 [sflag:s16], s13  }
0x39: {  	s12 =	smov.u32 s17;
	s18 =	ssub.s32 @!p1 $0x0, s13;
	[sflag:s16] =	ssyncset.done @!p1 $0x0  }
0x3a: {  	s13 =	smov.u32 s10;
	s10 =	smov.u32 s2;
	[sflag:s16] =	ssyncadd.s32 @!p1 s18  }
.LBB1_1:
0x3b: {  	p1 =	sge.u32 s14, s5  }
0x3c: {  	s16 =	sxor.u32 @!p1 $0xFFFFFFFF, s14;
	s17 =	smul.u32 @!p1 $0xE000, s12  }
0x3d: {  	s31 =	sadd.s32 $0xFFFFFFFF, s14;
	s18 =	simm.s32 @!p1 $0x800;
	s16 =	sshll.u32 @!p1 s16, $0xE  }
0x3e: {  	s19 =	simm.s32 @!p1 $0xE000;
	s16 =	sand.u32 @!p1 $0x4000, s16;
	s17 =	sadd.s32 @!p1 s17, s6  }
0x3f: {  	[tilespmem:s16], [sflag:$0x1] =	stream.strided.gather @!p1 [hbm4b:s17+s18], $0x4000, s19, s18, $0x38;
	[tilespmem:$0x10200] =	vst v63  }
0x40: {  	p1 =	sge.u32 s31, s5  }
.Ltmp2:
0x41: {  	_ = 	snop;
	(pc) =	sbr.rel @p1 .LBB1_5-.Ltmp2, $1  }
0x42: {  	_ =	sdelay $0x3  }
0x43: {  	s18 =	simm.s32 $0x0  }
0x44: {  	s19 =	sand.u32 $0x3800, s18;
	s20 =	sand.u32 $0x380, s18  }
0x45: {  	s16 =	sand.u32 $0x1, s14;
	s20 =	sor.u32 s20, s19  }
0x46: {  	_ =	swait.ge [sflag:s3], $0x4000;
	s17 =	sshll.u32 s16, $0xE;
	s19 =	sand.u32 $0x3B00, s20  }
0x47: {  	[sflag:s3] =	ssyncset.done $0x0;
	s18 =	sand.u32 $0x80, s18;
	s19 =	sadd.s32 s19, s17  }
0x48: {  	[sflag:s3] =	ssyncadd.s32 $0xFFFFC000;
	s22 =	sadd.s32 s18, s19  }
0x49: {  	v4 =	vld [tilespmem:s22+$0x400]  }
0x4a: {  	s21 =	simm.s32 $0x1;
	v5 =	vld [tilespmem:s22+$0x0]  }
0x4b: {  	s21 =	simm.s32 @!p0 $0x0;
	v6 =	vld [tilespmem:s22+$0x10]  }
0x4c: {  	v0 =	vmov s17;
	s31 =	smul.u32 $0x10400, s21;
	v7 =	vld [tilespmem:s22+$0x20]  }
0x4d: {  	v9 =	vld [tilespmem:s22+$0x30]  }
0x4e: {  	s18 =	sshrl.u32 s31, $0x2;
	v10 =	vld [tilespmem:s22+$0x40]  }
0x4f: {  	s18 =	sor.u32 $0x8000, s18;
	v11 =	vld [tilespmem:s22+$0x50]  }
0x50: {  	v8 =	vld [tilespmem:s22+$0x60];
	s19 =	sadd.s32 $0x0, s18  }
0x51: {  	v1 =	vld.idx.msk [tilespmem:v0+s20+$0x410 ss:$0x1], $0xffff;
	[tilespmem:s19+$0x2080 ss:$0x41] =	vst.msk $0xffff, v4  }
0x52: {  	v2 =	vld.idx.msk [tilespmem:v0+s20+$0x420 ss:$0x1], $0xffff;
	[tilespmem:s19+$0x0 ss:$0x41] =	vst.msk $0xffff, v5  }
0x53: {  	v3 =	vld.idx.msk [tilespmem:v0+s20+$0x430 ss:$0x1], $0xffff;
	[tilespmem:s19+$0x410 ss:$0x41] =	vst.msk $0xffff, v6  }
0x54: {  	s16 =	smul.u32 $0x10400, s16;
	[tilespmem:s19+$0x820 ss:$0x41] =	vst.msk $0xffff, v7;
	v7 =	vld [tilespmem:s22+$0x70]  }
0x55: {  	s23 =	simm.s32 $0x100;
	s24 =	simm.s32 $0x8;
	[tilespmem:s19+$0xC30 ss:$0x41] =	vst.msk $0xffff, v9;
	v4 =	vld.idx.msk [tilespmem:v0+s20+$0x440 ss:$0x1], $0xffff  }
0x56: {  	s25 =	sand.u32 $0x3800, s23;
	s16 =	sshrl.u32 s16, $0x2;
	[tilespmem:s19+$0x1040 ss:$0x41] =	vst.msk $0xffff, v10;
	v5 =	vld.idx.msk [tilespmem:v0+s20+$0x450 ss:$0x1], $0xffff;
	s22 =	simm.s32 $0x80  }
0x57: {  	s21 =	simm.s32 $0x4;
	s16 =	sor.u32 $0x8000, s16;
	[tilespmem:s19+$0x1450 ss:$0x41] =	vst.msk $0xffff, v11;
	v6 =	vld.idx.msk [tilespmem:v0+s20+$0x460 ss:$0x1], $0xffff;
	s26 =	sand.u32 $0x380, s22  }
.LBB1_3:
0x58: {  	p1 =	sne.s32 s24, $0xFC;
	[tilespmem:s19+$0x1860 ss:$0x41] =	vst.msk $0xffff, v8;
	v8 =	vld.idx.msk [tilespmem:v0+s20+$0x470 ss:$0x1], $0xffff;
	s20 =	sor.u32 s26, s25  }
0x59: {  	s25 =	sand.u32 $0x3B00, s20;
	v9 =	vld.idx.msk [tilespmem:v0+s20+$0x410 ss:$0x1], $0xffff;
	[tilespmem:s19+$0x1C70 ss:$0x41] =	vst.msk $0xffff, v7  }
0x5a: {  	s26 =	sand.u32 $0x80, s22;
	s25 =	sadd.s32 s25, s17;
	v7 =	vld.idx.msk [tilespmem:v0+s20+$0x420 ss:$0x1], $0xffff;
	[tilespmem:s19+$0x2490 ss:$0x41] =	vst.msk $0xffff, v1  }
0x5b: {  	s25 =	sadd.s32 s26, s25;
	v10 =	vld.idx.msk [tilespmem:v0+s20+$0x430 ss:$0x1], $0xffff;
	[tilespmem:s19+$0x28A0 ss:$0x41] =	vst.msk $0xffff, v2  }
0x5c: {  	v11 =	vld [tilespmem:s25+$0x400];
	[tilespmem:s19+$0x2CB0 ss:$0x41] =	vst.msk $0xffff, v3  }
0x5d: {  	v12 =	vld [tilespmem:s25+$0x0];
	[tilespmem:s19+$0x30C0 ss:$0x41] =	vst.msk $0xffff, v4  }
0x5e: {  	v4 =	vld [tilespmem:s25+$0x10];
	[tilespmem:s19+$0x34D0 ss:$0x41] =	vst.msk $0xffff, v5  }
0x5f: {  	s26 =	sshra.s32 s21, $0x2;
	s21 =	smov.u32 s24;
	v1 =	vmov v9;
	v5 =	vld [tilespmem:s25+$0x20];
	[tilespmem:s19+$0x38E0 ss:$0x41] =	vst.msk $0xffff, v6  }
0x60: {  	v2 =	vmov v7;
	v6 =	vld [tilespmem:s25+$0x30];
	[tilespmem:s19+$0x3CF0 ss:$0x41] =	vst.msk $0xffff, v8;
	s19 =	sadd.s32 s26, s18  }
0x61: {  	v3 =	vmov v10;
	v9 =	vld [tilespmem:s25+$0x40];
	[tilespmem:s19+$0x2080 ss:$0x41] =	vst.msk $0xffff, v11  }
0x62: {  	[tilespmem:s19+$0x0 ss:$0x41] =	vst.msk $0xffff, v12;
	v10 =	vld [tilespmem:s25+$0x50]  }
.Ltmp3:
0x63: {  	[tilespmem:s19+$0x410 ss:$0x41] =	vst.msk $0xffff, v4;
	v8 =	vld [tilespmem:s25+$0x60];
	(pc) =	sbr.rel @p1 .LBB1_3-.Ltmp3, $4  }
0x64: {  	[tilespmem:s19+$0x820 ss:$0x41] =	vst.msk $0xffff, v5;
	v7 =	vld [tilespmem:s25+$0x70]  }
0x65: {  	[tilespmem:s19+$0xC30 ss:$0x41] =	vst.msk $0xffff, v6;
	v4 =	vld.idx.msk [tilespmem:v0+s20+$0x440 ss:$0x1], $0xffff  }
0x66: {  	s22 =	sadd.s32 $0x80, s22;
	s23 =	sadd.s32 $0x100, s23;
	[tilespmem:s19+$0x1040 ss:$0x41] =	vst.msk $0xffff, v9;
	v5 =	vld.idx.msk [tilespmem:v0+s20+$0x450 ss:$0x1], $0xffff  }
0x67: {  	s24 =	sadd.s32 $0x4, s24;
	s26 =	sand.u32 $0x380, s22;
	s25 =	sand.u32 $0x3800, s23;
	[tilespmem:s19+$0x1450 ss:$0x41] =	vst.msk $0xffff, v10;
	v6 =	vld.idx.msk [tilespmem:v0+s20+$0x460 ss:$0x1], $0xffff  }
.Ltmp4:
0x68: {  	_ = 	snop;
	(pc) =	sbr.rel .LBB1_4-.Ltmp4, $1  }
0x69: {  	_ =	sdelay $0x3  }
.LBB1_6:
0x6a: {  	_ =	sfence.sel $0x180000  }
0x6b: {  	s2 =	simm.s32 $0x1;
	[bflag:$0x0] =	sbarrier.arrive $0xFFFF  }
0x6c: {  	s31 =	simm.s32 $0x2;
	[sflag:s2] =	ssyncpa.u1 $0x1  }
0x6d: {  	[sflag:s31] =	ssyncpa.u1 $0x1  }
0x6e: {  	p0 =	sne.s32 s0, $0x0;
	_ =	strace $0x9000004A  }
0x6f: {  	s0 =	sadd.s32 @!p0 $0x100000, s1;
	[bflag:$0x2] =	sbarrier.arrive $0xFFFF  }
0x70: {  	[sflag:s0] =	ssyncadd.tile.s32 @!p0 $0x1;
	_ =	shalt  }
.Lfunc_end1:
_tile_overlayer_lowered:
.L_overlay_start_2:
0x71: {  	(tag) =	ssettag $0x2  }
0x72: {  	s0 =	rddreg [dreg:$0x0];
	s2 =	stileid.u32  }
0x73: {  	s1 =	rddreg [dreg:$0x1];
	p0 =	sne.s32 s2, $0x0  }
0x74: {  	s3 =	rddreg [dreg:$0x2];
	[bflag:$0x3] =	sbarrier.arrive $0xFFFF;
	s2 =	simm.s32 @!p0 $0x1C01  }
0x75: {  	[timem:s3], [sflag:s2] =	dma.local @!p0 [hbm:s0], s1  }
0x76: {  	s0 =	simm.s32 @!p0 $0x1  }
0x77: {  	_ =	swait.ge @!p0 [sflag:s0], s1  }
0x78: {  	s1 =	ssub.s32 @!p0 $0x0, s1;
	[sflag:s0] =	ssyncset.done @!p0 $0x0  }
0x79: {  	[sflag:s0] =	ssyncadd.s32 @!p0 s1  }
0x7a: {  	[bflag:$0x3] =	sbarrier.arrive $0xFFFF  }
0x7b: {  	_ =	shalt  }

</sc_bundles>
